<compile_context>
chip_gen: v7x
topology: tpu7x:2x2x1
jax: 0.10.2.dev20260603
libtpu: 0.0.44.dev20260713+nightly
codegen_flags: <defaults>
</compile_context>

<pallas_src>
import functools

import jax
import jax.numpy as jnp
from jax import lax
from jax.experimental import pallas as pl
from jax.experimental.pallas import tpu as pltpu
from jax.experimental.pallas import tpu_sc as plsc

N = 10000
E = 320000
IN_D = 128
HID = 64
OUT = 32

NC = 2
NS = 16
NW = NC * NS
CHUNK = 80
EPT = E // NW
N_PAD = 10240
ROWS_PT = N_PAD // NS

D1 = HID + 16
D2 = OUT

_BR = 1000
_GRID = N // _BR


def _mm1_body(x_ref, w_ref, b_ref, p_ref, r_ref):
    y = jnp.dot(x_ref[...], w_ref[...], preferred_element_type=jnp.float32)
    ones = jnp.ones((_BR, 16), jnp.float32)
    p_ref[...] = jnp.concatenate([y[:, :HID], ones], axis=1)
    r_ref[...] = y[:, HID:] + b_ref[...]


def _mm1(x, w1cat, b1r):
    return pl.pallas_call(
        _mm1_body,
        grid=(_GRID,),
        in_specs=[
            pl.BlockSpec((_BR, IN_D), lambda i: (i, 0)),
            pl.BlockSpec((IN_D, 2 * HID), lambda i: (0, 0)),
            pl.BlockSpec((1, HID), lambda i: (0, 0)),
        ],
        out_specs=[
            pl.BlockSpec((_BR, D1), lambda i: (i, 0)),
            pl.BlockSpec((_BR, HID), lambda i: (i, 0)),
        ],
        out_shape=[
            jax.ShapeDtypeStruct((N, D1), jnp.float32),
            jax.ShapeDtypeStruct((N, HID), jnp.float32),
        ],
    )(x, w1cat, b1r)


def _mm2_body(acc_ref, r1_ref, w_ref, b_ref, p_ref, r_ref):
    a = acc_ref[0] + acc_ref[1]
    deg = a[:, HID:HID + 1]
    dinv = 1.0 / jnp.maximum(deg, 1.0)
    h = jnp.maximum(a[:, :HID] * dinv + r1_ref[...], 0.0)
    y = jnp.dot(h, w_ref[...], preferred_element_type=jnp.float32)
    p_ref[...] = y[:, :OUT]
    r_ref[...] = jnp.concatenate(
        [y[:, OUT:] + b_ref[...], jnp.broadcast_to(dinv, (_BR, 16))], axis=1)


def _mm2(acc1, r1, w2cat, b2r):
    return pl.pallas_call(
        _mm2_body,
        grid=(_GRID,),
        in_specs=[
            pl.BlockSpec((NC, _BR, D1), lambda i: (0, i, 0)),
            pl.BlockSpec((_BR, HID), lambda i: (i, 0)),
            pl.BlockSpec((HID, 2 * OUT), lambda i: (0, 0)),
            pl.BlockSpec((1, OUT), lambda i: (0, 0)),
        ],
        out_specs=[
            pl.BlockSpec((_BR, D2), lambda i: (i, 0)),
            pl.BlockSpec((_BR, OUT + 16), lambda i: (i, 0)),
        ],
        out_shape=[
            jax.ShapeDtypeStruct((N, D2), jnp.float32),
            jax.ShapeDtypeStruct((N, OUT + 16), jnp.float32),
        ],
    )(acc1, r1, w2cat, b2r)


def _comb_body(acc_ref, r_ref, o_ref):
    a = acc_ref[0] + acc_ref[1]
    dinv = r_ref[:, OUT:OUT + 1]
    o_ref[...] = a * dinv + r_ref[:, :OUT]


def _comb(acc2, r2p):
    return pl.pallas_call(
        _comb_body,
        grid=(_GRID,),
        in_specs=[
            pl.BlockSpec((NC, _BR, D2), lambda i: (0, i, 0)),
            pl.BlockSpec((_BR, OUT + 16), lambda i: (i, 0)),
        ],
        out_specs=pl.BlockSpec((_BR, OUT), lambda i: (i, 0)),
        out_shape=jax.ShapeDtypeStruct((N, OUT), jnp.float32),
    )(acc2, r2p)


NCH = EPT // CHUNK
NBUF = 5
NG = NCH // NBUF


@functools.lru_cache(maxsize=None)
def _make_seg_sum(D):
    mesh = plsc.VectorSubcoreMesh(
        core_axis_name="c", subcore_axis_name="s", num_cores=NC,
        num_subcores=NS)

    @functools.partial(
        pl.kernel,
        out_type=jax.ShapeDtypeStruct((NC, N_PAD, D), jnp.float32),
        mesh=mesh,
        scratch_types=[
            pltpu.VMEM((NCH, CHUNK), jnp.int32),
            pltpu.VMEM((NCH, CHUNK), jnp.int32),
            [pltpu.VMEM((CHUNK, D), jnp.float32) for _ in range(NBUF)],
            pltpu.VMEM_SHARED((N_PAD, D), jnp.float32),
            [pltpu.SemaphoreType.DMA for _ in range(NBUF)],
        ],
        compiler_params=pltpu.CompilerParams(use_tc_tiling_on_sc=False),
    )
    def seg(p_hbm, src_hbm, dst_hbm, z_hbm, out_hbm, idx_s, idx_d, rows,
            acc_sh, gsems):
        c = lax.axis_index("c")
        s = lax.axis_index("s")
        wid = c * NS + s
        rbase = s * ROWS_PT
        pltpu.sync_copy(src_hbm.at[pl.ds(wid * NCH, NCH)], idx_s)
        pltpu.sync_copy(dst_hbm.at[pl.ds(wid * NCH, NCH)], idx_d)
        pltpu.sync_copy(z_hbm.at[pl.ds(rbase, ROWS_PT)],
                        acc_sh.at[pl.ds(rbase, ROWS_PT)])
        plsc.subcore_barrier()

        for b in range(NBUF):
            pltpu.async_copy(p_hbm.at[idx_s.at[b]], rows[b], gsems[b])

        def outer(g, carry):
            for b in range(NBUF):
                i = g * NBUF + b
                pltpu.make_async_copy(p_hbm.at[idx_s.at[i]], rows[b],
                                      gsems[b]).wait()
                pltpu.sync_copy(rows[b], acc_sh.at[idx_d.at[i]], add=True)

                @pl.when(i + NBUF < NCH)
                def _():
                    pltpu.async_copy(p_hbm.at[idx_s.at[i + NBUF]], rows[b],
                                     gsems[b])
            return carry

        lax.fori_loop(0, NG, outer, 0)
        plsc.subcore_barrier()
        pltpu.sync_copy(acc_sh.at[pl.ds(rbase, ROWS_PT)],
                        out_hbm.at[c, pl.ds(rbase, ROWS_PT)])

    return seg


def kernel(x, edge_index, W1_l, W1_r, b1, W2_l, W2_r, b2):
    src = edge_index[0].astype(jnp.int32).reshape(E // CHUNK, CHUNK)
    dst = edge_index[1].astype(jnp.int32).reshape(E // CHUNK, CHUNK)
    w1cat = jnp.concatenate([W1_l.T, W1_r.T], axis=1)
    w2cat = jnp.concatenate([W2_l.T, W2_r.T], axis=1)
    b1r = b1.reshape(1, HID)
    b2r = b2.reshape(1, OUT)
    z1 = jnp.zeros((N_PAD, D1), jnp.float32)
    z2 = jnp.zeros((N_PAD, D2), jnp.float32)

    p1, r1 = _mm1(x, w1cat, b1r)
    acc1 = _make_seg_sum(D1)(p1, src, dst, z1)
    p2, r2p = _mm2(acc1, r1, w2cat, b2r)
    acc2 = _make_seg_sum(D2)(p2, src, dst, z2)
    return _comb(acc2, r2p)

# --- scband reference (transcript-rebuilt; emitter-appended) ---
"""Pipeline reference for scband-graph-sage-51496657879701 (READ-ONLY COPY).

The authoritative reference and input builder live on the scoring server;
editing this copy changes nothing except your own understanding.
"""

import jax, jax.numpy as jnp
import numpy as np

N_NODES = 10000
N_EDGES = 320000
IN_DIM = 128
HID_DIM = 64
OUT_DIM = 32


def setup_inputs(seed: int = 0) -> dict:
    key = jax.random.key(seed)
    k_x, k_e, k1, k2, k3, k4 = jax.random.split(key, 6)
    x = jax.random.normal(k_x, (N_NODES, IN_DIM), dtype=jnp.float32)
    edge_index = jax.random.randint(k_e, (2, N_EDGES), 0, N_NODES, dtype=jnp.int64)
    # SAGEConv params (PyG semantics): lin_l applied to mean-aggregated neighbors (has bias),
    # lin_r applied to root/self features (no bias).
    s1 = 1.0 / np.sqrt(IN_DIM)
    s2 = 1.0 / np.sqrt(HID_DIM)
    W1_l = jax.random.uniform(k1, (HID_DIM, IN_DIM), dtype=jnp.float32, minval=-s1, maxval=s1)
    W1_r = jax.random.uniform(k2, (HID_DIM, IN_DIM), dtype=jnp.float32, minval=-s1, maxval=s1)
    b1 = jnp.zeros((HID_DIM,), dtype=jnp.float32)
    W2_l = jax.random.uniform(k3, (OUT_DIM, HID_DIM), dtype=jnp.float32, minval=-s2, maxval=s2)
    W2_r = jax.random.uniform(k4, (OUT_DIM, HID_DIM), dtype=jnp.float32, minval=-s2, maxval=s2)
    b2 = jnp.zeros((OUT_DIM,), dtype=jnp.float32)
    return {"x": x, "edge_index": edge_index, "W1_l": W1_l, "W1_r": W1_r, "b1": b1,
            "W2_l": W2_l, "W2_r": W2_r, "b2": b2}


def _sage_conv(x, edge_index, W_l, W_r, b):
    src = edge_index[0]
    dst = edge_index[1]
    n = x.shape[0]
    # gather neighbor features (message = x_j)
    msgs = jnp.take(x, src, axis=0)
    # mean aggregation by destination node
    summed = jax.ops.segment_sum(msgs, dst, num_segments=n)
    deg = jax.ops.segment_sum(jnp.ones((src.shape[0],), dtype=x.dtype), dst, num_segments=n)
    mean = summed / jnp.clip(deg, 1.0, None)[:, None]
    # out = lin_l(mean_agg) + lin_r(x)
    return mean @ W_l.T + b + x @ W_r.T


def reference(x, edge_index, W1_l, W1_r, b1, W2_l, W2_r, b2):
    h = _sage_conv(x, edge_index, W1_l, W1_r, b1)
    h = jax.nn.relu(h)
    out = _sage_conv(h, edge_index, W2_l, W2_r, b2)
    return out

if __name__ == "__main__":
    import jax
    _d = setup_inputs()
    print(jax.jit(kernel)(*tuple(_d.values())))

</pallas_src>

<mosaic_0001>
#map = affine_map<(d0, d1) -> (0, 0)>
#map1 = affine_map<(d0, d1) -> (0, 0, 0)>
module attributes {stable_mosaic.version = 14 : i64} {
  func.func @seg(%arg0: i32, %arg1: i32, %arg2: memref<10000x80xf32, #tpu.memory_space<hbm>>, %arg3: memref<4000x80xi32, #tpu.memory_space<hbm>>, %arg4: memref<4000x80xi32, #tpu.memory_space<hbm>>, %arg5: memref<10240x80xf32, #tpu.memory_space<hbm>>, %arg6: memref<2x10240x80xf32, #tpu.memory_space<hbm>>, %arg7: memref<125x80xi32, #tpu.memory_space<vmem>>, %arg8: memref<125x80xi32, #tpu.memory_space<vmem>>, %arg9: memref<80x80xf32, #tpu.memory_space<vmem>>, %arg10: memref<80x80xf32, #tpu.memory_space<vmem>>, %arg11: memref<80x80xf32, #tpu.memory_space<vmem>>, %arg12: memref<80x80xf32, #tpu.memory_space<vmem>>, %arg13: memref<80x80xf32, #tpu.memory_space<vmem>>, %arg14: memref<10240x80xf32, #tpu.memory_space<vmem_shared>>, %arg15: memref<!tpu.dma_semaphore, #tpu.memory_space<semaphore_mem>>, %arg16: memref<!tpu.dma_semaphore, #tpu.memory_space<semaphore_mem>>, %arg17: memref<!tpu.dma_semaphore, #tpu.memory_space<semaphore_mem>>, %arg18: memref<!tpu.dma_semaphore, #tpu.memory_space<semaphore_mem>>, %arg19: memref<!tpu.dma_semaphore, #tpu.memory_space<semaphore_mem>>) attributes {dimension_semantics = [#tpu.dimension_semantics<core_parallel>, #tpu.dimension_semantics<subcore_parallel>], iteration_bounds = array<i64: 2, 16>, scalar_prefetch = 0 : i64, scratch_operands = 13 : i64, tpu.core_type = #tpu.core_type<sc_vector_subcore>, window_params = [{transform_indices = #map}, {transform_indices = #map}, {transform_indices = #map}, {transform_indices = #map}, {transform_indices = #map1}]} {
    %mul3A = arith.constant 16 : i32
    %mul3A_0 = arith.muli %arg0, %mul3A : i32
    %add3A = arith.addi %mul3A_0, %arg1 : i32
    %mul3A_1 = arith.constant 640 : i32
    %mul3A_2 = arith.muli %arg1, %mul3A_1 : i32
    %mul3A_3 = arith.constant 125 : i32
    %mul3A_4 = arith.muli %add3A, %mul3A_3 : i32
    "tpu.region"() ({
      %run_scoped3A = tpu.sem_alloc : memref<!tpu.dma_semaphore, #tpu.memory_space<semaphore_mem>>
      %dma_start3A_47 = arith.constant 0 : i32
      %dma_start3A_48 = tpu.memref_slice %arg3[%mul3A_4, %dma_start3A_47] : memref<4000x80xi32, #tpu.memory_space<hbm>> -> memref<125x80xi32, #tpu.memory_space<hbm>>
      %dma_start3A_49 = arith.constant 0 : i32
      %dma_start3A_50 = tpu.memref_slice %arg3[%mul3A_4, %dma_start3A_49] : memref<4000x80xi32, #tpu.memory_space<hbm>> -> memref<125x80xi32, #tpu.memory_space<hbm>>
      tpu.enqueue_dma source(%dma_start3A_50 : memref<125x80xi32, #tpu.memory_space<hbm>>) target(%arg7 : memref<125x80xi32, #tpu.memory_space<vmem>>) target_semaphore(%run_scoped3A : memref<!tpu.dma_semaphore, #tpu.memory_space<semaphore_mem>>)
      %dma_wait3A = arith.constant 0 : i32
      %dma_wait3A_51 = tpu.memref_slice %arg3[%mul3A_4, %dma_wait3A] : memref<4000x80xi32, #tpu.memory_space<hbm>> -> memref<125x80xi32, #tpu.memory_space<hbm>>
      %dma_wait3A_52 = arith.constant 0 : i32
      %dma_wait3A_53 = tpu.memref_slice %arg3[%mul3A_4, %dma_wait3A_52] : memref<4000x80xi32, #tpu.memory_space<hbm>> -> memref<125x80xi32, #tpu.memory_space<hbm>>
      tpu.wait_dma2 semaphore(%run_scoped3A : memref<!tpu.dma_semaphore, #tpu.memory_space<semaphore_mem>>) src(%dma_wait3A_53 : memref<125x80xi32, #tpu.memory_space<hbm>>) dst(%arg7 : memref<125x80xi32, #tpu.memory_space<vmem>>)
      tpu.yield
    }) : () -> ()
    %mul3A_5 = arith.constant 125 : i32
    %mul3A_6 = arith.muli %add3A, %mul3A_5 : i32
    "tpu.region"() ({
      %run_scoped3A = tpu.sem_alloc : memref<!tpu.dma_semaphore, #tpu.memory_space<semaphore_mem>>
      %dma_start3A_47 = arith.constant 0 : i32
      %dma_start3A_48 = tpu.memref_slice %arg4[%mul3A_6, %dma_start3A_47] : memref<4000x80xi32, #tpu.memory_space<hbm>> -> memref<125x80xi32, #tpu.memory_space<hbm>>
      %dma_start3A_49 = arith.constant 0 : i32
      %dma_start3A_50 = tpu.memref_slice %arg4[%mul3A_6, %dma_start3A_49] : memref<4000x80xi32, #tpu.memory_space<hbm>> -> memref<125x80xi32, #tpu.memory_space<hbm>>
      tpu.enqueue_dma source(%dma_start3A_50 : memref<125x80xi32, #tpu.memory_space<hbm>>) target(%arg8 : memref<125x80xi32, #tpu.memory_space<vmem>>) target_semaphore(%run_scoped3A : memref<!tpu.dma_semaphore, #tpu.memory_space<semaphore_mem>>)
      %dma_wait3A = arith.constant 0 : i32
      %dma_wait3A_51 = tpu.memref_slice %arg4[%mul3A_6, %dma_wait3A] : memref<4000x80xi32, #tpu.memory_space<hbm>> -> memref<125x80xi32, #tpu.memory_space<hbm>>
      %dma_wait3A_52 = arith.constant 0 : i32
      %dma_wait3A_53 = tpu.memref_slice %arg4[%mul3A_6, %dma_wait3A_52] : memref<4000x80xi32, #tpu.memory_space<hbm>> -> memref<125x80xi32, #tpu.memory_space<hbm>>
      tpu.wait_dma2 semaphore(%run_scoped3A : memref<!tpu.dma_semaphore, #tpu.memory_space<semaphore_mem>>) src(%dma_wait3A_53 : memref<125x80xi32, #tpu.memory_space<hbm>>) dst(%arg8 : memref<125x80xi32, #tpu.memory_space<vmem>>)
      tpu.yield
    }) : () -> ()
    "tpu.region"() ({
      %run_scoped3A = tpu.sem_alloc : memref<!tpu.dma_semaphore, #tpu.memory_space<semaphore_mem>>
      %dma_start3A_47 = arith.constant 0 : i32
      %dma_start3A_48 = tpu.memref_slice %arg14[%mul3A_2, %dma_start3A_47] : memref<10240x80xf32, #tpu.memory_space<vmem_shared>> -> memref<640x80xf32, #tpu.memory_space<vmem_shared>>
      %dma_start3A_49 = arith.constant 0 : i32
      %dma_start3A_50 = tpu.memref_slice %arg5[%mul3A_2, %dma_start3A_49] : memref<10240x80xf32, #tpu.memory_space<hbm>> -> memref<640x80xf32, #tpu.memory_space<hbm>>
      tpu.enqueue_dma source(%dma_start3A_50 : memref<640x80xf32, #tpu.memory_space<hbm>>) target(%dma_start3A_48 : memref<640x80xf32, #tpu.memory_space<vmem_shared>>) target_semaphore(%run_scoped3A : memref<!tpu.dma_semaphore, #tpu.memory_space<semaphore_mem>>)
      %dma_wait3A = arith.constant 0 : i32
      %dma_wait3A_51 = tpu.memref_slice %arg14[%mul3A_2, %dma_wait3A] : memref<10240x80xf32, #tpu.memory_space<vmem_shared>> -> memref<640x80xf32, #tpu.memory_space<vmem_shared>>
      %dma_wait3A_52 = arith.constant 0 : i32
      %dma_wait3A_53 = tpu.memref_slice %arg5[%mul3A_2, %dma_wait3A_52] : memref<10240x80xf32, #tpu.memory_space<hbm>> -> memref<640x80xf32, #tpu.memory_space<hbm>>
      tpu.wait_dma2 semaphore(%run_scoped3A : memref<!tpu.dma_semaphore, #tpu.memory_space<semaphore_mem>>) src(%dma_wait3A_53 : memref<640x80xf32, #tpu.memory_space<hbm>>) dst(%dma_wait3A_51 : memref<640x80xf32, #tpu.memory_space<vmem_shared>>)
      tpu.yield
    }) : () -> ()
    %barrier3A = arith.constant 0 : index
    tpu.barrier barrier_id(%barrier3A)
    %dma_start3A = arith.constant 0 : i32
    %dma_start3A_7 = arith.constant 0 : i32
    %dma_start3A_8 = tpu.memref_slice %arg7[%dma_start3A, %dma_start3A_7] : memref<125x80xi32, #tpu.memory_space<vmem>> -> memref<1x80xi32, #tpu.memory_space<vmem>>
    %dma_start3A_9 = tpu.memref_squeeze %dma_start3A_8 : memref<1x80xi32, #tpu.memory_space<vmem>> -> memref<80xi32, #tpu.memory_space<vmem>>
    %dma_start3A_10 = arith.constant 0 : i32
    %dma_start3A_11 = arith.constant 0 : i32
    %dma_start3A_12 = tpu.memref_slice %arg2[%dma_start3A_10, %dma_start3A_11] : memref<10000x80xf32, #tpu.memory_space<hbm>> -> memref<10000x80xf32, #tpu.memory_space<hbm>>
    tpu.enqueue_indirect_dma source(%dma_start3A_12 : memref<10000x80xf32, #tpu.memory_space<hbm>>) target(%arg9 : memref<80x80xf32, #tpu.memory_space<vmem>>) offsets(%dma_start3A_9 : memref<80xi32, #tpu.memory_space<vmem>>) semaphore(%arg15 : memref<!tpu.dma_semaphore, #tpu.memory_space<semaphore_mem>>)
    %dma_start3A_13 = arith.constant 1 : i32
    %dma_start3A_14 = arith.constant 0 : i32
    %dma_start3A_15 = tpu.memref_slice %arg7[%dma_start3A_13, %dma_start3A_14] : memref<125x80xi32, #tpu.memory_space<vmem>> -> memref<1x80xi32, #tpu.memory_space<vmem>>
    %dma_start3A_16 = tpu.memref_squeeze %dma_start3A_15 : memref<1x80xi32, #tpu.memory_space<vmem>> -> memref<80xi32, #tpu.memory_space<vmem>>
    %dma_start3A_17 = arith.constant 0 : i32
    %dma_start3A_18 = arith.constant 0 : i32
    %dma_start3A_19 = tpu.memref_slice %arg2[%dma_start3A_17, %dma_start3A_18] : memref<10000x80xf32, #tpu.memory_space<hbm>> -> memref<10000x80xf32, #tpu.memory_space<hbm>>
    tpu.enqueue_indirect_dma source(%dma_start3A_19 : memref<10000x80xf32, #tpu.memory_space<hbm>>) target(%arg10 : memref<80x80xf32, #tpu.memory_space<vmem>>) offsets(%dma_start3A_16 : memref<80xi32, #tpu.memory_space<vmem>>) semaphore(%arg16 : memref<!tpu.dma_semaphore, #tpu.memory_space<semaphore_mem>>)
    %dma_start3A_20 = arith.constant 2 : i32
    %dma_start3A_21 = arith.constant 0 : i32
    %dma_start3A_22 = tpu.memref_slice %arg7[%dma_start3A_20, %dma_start3A_21] : memref<125x80xi32, #tpu.memory_space<vmem>> -> memref<1x80xi32, #tpu.memory_space<vmem>>
    %dma_start3A_23 = tpu.memref_squeeze %dma_start3A_22 : memref<1x80xi32, #tpu.memory_space<vmem>> -> memref<80xi32, #tpu.memory_space<vmem>>
    %dma_start3A_24 = arith.constant 0 : i32
    %dma_start3A_25 = arith.constant 0 : i32
    %dma_start3A_26 = tpu.memref_slice %arg2[%dma_start3A_24, %dma_start3A_25] : memref<10000x80xf32, #tpu.memory_space<hbm>> -> memref<10000x80xf32, #tpu.memory_space<hbm>>
    tpu.enqueue_indirect_dma source(%dma_start3A_26 : memref<10000x80xf32, #tpu.memory_space<hbm>>) target(%arg11 : memref<80x80xf32, #tpu.memory_space<vmem>>) offsets(%dma_start3A_23 : memref<80xi32, #tpu.memory_space<vmem>>) semaphore(%arg17 : memref<!tpu.dma_semaphore, #tpu.memory_space<semaphore_mem>>)
    %dma_start3A_27 = arith.constant 3 : i32
    %dma_start3A_28 = arith.constant 0 : i32
    %dma_start3A_29 = tpu.memref_slice %arg7[%dma_start3A_27, %dma_start3A_28] : memref<125x80xi32, #tpu.memory_space<vmem>> -> memref<1x80xi32, #tpu.memory_space<vmem>>
    %dma_start3A_30 = tpu.memref_squeeze %dma_start3A_29 : memref<1x80xi32, #tpu.memory_space<vmem>> -> memref<80xi32, #tpu.memory_space<vmem>>
    %dma_start3A_31 = arith.constant 0 : i32
    %dma_start3A_32 = arith.constant 0 : i32
    %dma_start3A_33 = tpu.memref_slice %arg2[%dma_start3A_31, %dma_start3A_32] : memref<10000x80xf32, #tpu.memory_space<hbm>> -> memref<10000x80xf32, #tpu.memory_space<hbm>>
    tpu.enqueue_indirect_dma source(%dma_start3A_33 : memref<10000x80xf32, #tpu.memory_space<hbm>>) target(%arg12 : memref<80x80xf32, #tpu.memory_space<vmem>>) offsets(%dma_start3A_30 : memref<80xi32, #tpu.memory_space<vmem>>) semaphore(%arg18 : memref<!tpu.dma_semaphore, #tpu.memory_space<semaphore_mem>>)
    %dma_start3A_34 = arith.constant 4 : i32
    %dma_start3A_35 = arith.constant 0 : i32
    %dma_start3A_36 = tpu.memref_slice %arg7[%dma_start3A_34, %dma_start3A_35] : memref<125x80xi32, #tpu.memory_space<vmem>> -> memref<1x80xi32, #tpu.memory_space<vmem>>
    %dma_start3A_37 = tpu.memref_squeeze %dma_start3A_36 : memref<1x80xi32, #tpu.memory_space<vmem>> -> memref<80xi32, #tpu.memory_space<vmem>>
    %dma_start3A_38 = arith.constant 0 : i32
    %dma_start3A_39 = arith.constant 0 : i32
    %dma_start3A_40 = tpu.memref_slice %arg2[%dma_start3A_38, %dma_start3A_39] : memref<10000x80xf32, #tpu.memory_space<hbm>> -> memref<10000x80xf32, #tpu.memory_space<hbm>>
    tpu.enqueue_indirect_dma source(%dma_start3A_40 : memref<10000x80xf32, #tpu.memory_space<hbm>>) target(%arg13 : memref<80x80xf32, #tpu.memory_space<vmem>>) offsets(%dma_start3A_37 : memref<80xi32, #tpu.memory_space<vmem>>) semaphore(%arg19 : memref<!tpu.dma_semaphore, #tpu.memory_space<semaphore_mem>>)
    %scan3A = arith.constant 0 : i32
    %scan3A_41 = arith.constant 0 : i32
    %scan3A_42 = arith.constant 25 : i32
    %scan3A_43 = arith.addi %scan3A_41, %scan3A_42 : i32
    %scan3A_44 = arith.constant 1 : i32
    scf.for %scan3A_47 = %scan3A_41 to %scan3A_43 step %scan3A_44  : i32 {
      %mul3A_48 = arith.constant 5 : i32
      %mul3A_49 = arith.muli %scan3A_47, %mul3A_48 : i32
      %add3A_50 = arith.constant 0 : i32
      %add3A_51 = arith.addi %mul3A_49, %add3A_50 : i32
      %dma_wait3A = arith.constant 0 : i32
      %dma_wait3A_52 = tpu.memref_slice %arg7[%add3A_51, %dma_wait3A] : memref<125x80xi32, #tpu.memory_space<vmem>> -> memref<1x80xi32, #tpu.memory_space<vmem>>
      %dma_wait3A_53 = tpu.memref_squeeze %dma_wait3A_52 : memref<1x80xi32, #tpu.memory_space<vmem>> -> memref<80xi32, #tpu.memory_space<vmem>>
      %dma_wait3A_54 = arith.constant 0 : i32
      %dma_wait3A_55 = arith.constant 0 : i32
      %dma_wait3A_56 = tpu.memref_slice %arg2[%dma_wait3A_54, %dma_wait3A_55] : memref<10000x80xf32, #tpu.memory_space<hbm>> -> memref<10000x80xf32, #tpu.memory_space<hbm>>
      tpu.wait_indirect_dma semaphore(%arg15 : memref<!tpu.dma_semaphore, #tpu.memory_space<semaphore_mem>>) src(%dma_wait3A_56 : memref<10000x80xf32, #tpu.memory_space<hbm>>) dst(%arg9 : memref<80x80xf32, #tpu.memory_space<vmem>>)
      "tpu.region"() ({
        %run_scoped3A = tpu.sem_alloc : memref<!tpu.dma_semaphore, #tpu.memory_space<semaphore_mem>>
        %dma_start3A_129 = arith.constant 0 : i32
        %dma_start3A_130 = tpu.memref_slice %arg8[%add3A_51, %dma_start3A_129] : memref<125x80xi32, #tpu.memory_space<vmem>> -> memref<1x80xi32, #tpu.memory_space<vmem>>
        %dma_start3A_131 = tpu.memref_squeeze %dma_start3A_130 : memref<1x80xi32, #tpu.memory_space<vmem>> -> memref<80xi32, #tpu.memory_space<vmem>>
        %dma_start3A_132 = arith.constant 0 : i32
        %dma_start3A_133 = arith.constant 0 : i32
        %dma_start3A_134 = tpu.memref_slice %arg14[%dma_start3A_132, %dma_start3A_133] : memref<10240x80xf32, #tpu.memory_space<vmem_shared>> -> memref<10240x80xf32, #tpu.memory_space<vmem_shared>>
        tpu.enqueue_indirect_dma source(%arg9 : memref<80x80xf32, #tpu.memory_space<vmem>>) target(%dma_start3A_134 : memref<10240x80xf32, #tpu.memory_space<vmem_shared>>) offsets(%dma_start3A_131 : memref<80xi32, #tpu.memory_space<vmem>>) semaphore(%run_scoped3A : memref<!tpu.dma_semaphore, #tpu.memory_space<semaphore_mem>>) {add = true}
        %dma_wait3A_135 = arith.constant 0 : i32
        %dma_wait3A_136 = tpu.memref_slice %arg8[%add3A_51, %dma_wait3A_135] : memref<125x80xi32, #tpu.memory_space<vmem>> -> memref<1x80xi32, #tpu.memory_space<vmem>>
        %dma_wait3A_137 = tpu.memref_squeeze %dma_wait3A_136 : memref<1x80xi32, #tpu.memory_space<vmem>> -> memref<80xi32, #tpu.memory_space<vmem>>
        %dma_wait3A_138 = arith.constant 0 : i32
        %dma_wait3A_139 = arith.constant 0 : i32
        %dma_wait3A_140 = tpu.memref_slice %arg14[%dma_wait3A_138, %dma_wait3A_139] : memref<10240x80xf32, #tpu.memory_space<vmem_shared>> -> memref<10240x80xf32, #tpu.memory_space<vmem_shared>>
        tpu.wait_indirect_dma semaphore(%run_scoped3A : memref<!tpu.dma_semaphore, #tpu.memory_space<semaphore_mem>>) src(%arg9 : memref<80x80xf32, #tpu.memory_space<vmem>>) dst(%dma_wait3A_140 : memref<10240x80xf32, #tpu.memory_space<vmem_shared>>)
        tpu.yield
      }) : () -> ()
      %add3A_57 = arith.constant 5 : i32
      %add3A_58 = arith.addi %add3A_51, %add3A_57 : i32
      %lt3A = arith.constant 125 : i32
      %lt3A_59 = arith.cmpi slt, %add3A_58, %lt3A : i32
      %convert_element_type3A = arith.extui %lt3A_59 : i1 to i32
      %cond3A = arith.constant 0 : i32
      %cond3A_60 = arith.cmpi ne, %convert_element_type3A, %cond3A : i32
      scf.if %cond3A_60 {
        %add3A_129 = arith.constant 5 : i32
        %add3A_130 = arith.addi %add3A_51, %add3A_129 : i32
        %dma_start3A_131 = arith.constant 0 : i32
        %dma_start3A_132 = tpu.memref_slice %arg7[%add3A_130, %dma_start3A_131] : memref<125x80xi32, #tpu.memory_space<vmem>> -> memref<1x80xi32, #tpu.memory_space<vmem>>
        %dma_start3A_133 = tpu.memref_squeeze %dma_start3A_132 : memref<1x80xi32, #tpu.memory_space<vmem>> -> memref<80xi32, #tpu.memory_space<vmem>>
        %dma_start3A_134 = arith.constant 0 : i32
        %dma_start3A_135 = arith.constant 0 : i32
        %dma_start3A_136 = tpu.memref_slice %arg2[%dma_start3A_134, %dma_start3A_135] : memref<10000x80xf32, #tpu.memory_space<hbm>> -> memref<10000x80xf32, #tpu.memory_space<hbm>>
        tpu.enqueue_indirect_dma source(%dma_start3A_136 : memref<10000x80xf32, #tpu.memory_space<hbm>>) target(%arg9 : memref<80x80xf32, #tpu.memory_space<vmem>>) offsets(%dma_start3A_133 : memref<80xi32, #tpu.memory_space<vmem>>) semaphore(%arg15 : memref<!tpu.dma_semaphore, #tpu.memory_space<semaphore_mem>>)
      } else {
      }
      %mul3A_61 = arith.constant 5 : i32
      %mul3A_62 = arith.muli %scan3A_47, %mul3A_61 : i32
      %add3A_63 = arith.constant 1 : i32
      %add3A_64 = arith.addi %mul3A_62, %add3A_63 : i32
      %dma_wait3A_65 = arith.constant 0 : i32
      %dma_wait3A_66 = tpu.memref_slice %arg7[%add3A_64, %dma_wait3A_65] : memref<125x80xi32, #tpu.memory_space<vmem>> -> memref<1x80xi32, #tpu.memory_space<vmem>>
      %dma_wait3A_67 = tpu.memref_squeeze %dma_wait3A_66 : memref<1x80xi32, #tpu.memory_space<vmem>> -> memref<80xi32, #tpu.memory_space<vmem>>
      %dma_wait3A_68 = arith.constant 0 : i32
      %dma_wait3A_69 = arith.constant 0 : i32
      %dma_wait3A_70 = tpu.memref_slice %arg2[%dma_wait3A_68, %dma_wait3A_69] : memref<10000x80xf32, #tpu.memory_space<hbm>> -> memref<10000x80xf32, #tpu.memory_space<hbm>>
      tpu.wait_indirect_dma semaphore(%arg16 : memref<!tpu.dma_semaphore, #tpu.memory_space<semaphore_mem>>) src(%dma_wait3A_70 : memref<10000x80xf32, #tpu.memory_space<hbm>>) dst(%arg10 : memref<80x80xf32, #tpu.memory_space<vmem>>)
      "tpu.region"() ({
        %run_scoped3A = tpu.sem_alloc : memref<!tpu.dma_semaphore, #tpu.memory_space<semaphore_mem>>
        %dma_start3A_129 = arith.constant 0 : i32
        %dma_start3A_130 = tpu.memref_slice %arg8[%add3A_64, %dma_start3A_129] : memref<125x80xi32, #tpu.memory_space<vmem>> -> memref<1x80xi32, #tpu.memory_space<vmem>>
        %dma_start3A_131 = tpu.memref_squeeze %dma_start3A_130 : memref<1x80xi32, #tpu.memory_space<vmem>> -> memref<80xi32, #tpu.memory_space<vmem>>
        %dma_start3A_132 = arith.constant 0 : i32
        %dma_start3A_133 = arith.constant 0 : i32
        %dma_start3A_134 = tpu.memref_slice %arg14[%dma_start3A_132, %dma_start3A_133] : memref<10240x80xf32, #tpu.memory_space<vmem_shared>> -> memref<10240x80xf32, #tpu.memory_space<vmem_shared>>
        tpu.enqueue_indirect_dma source(%arg10 : memref<80x80xf32, #tpu.memory_space<vmem>>) target(%dma_start3A_134 : memref<10240x80xf32, #tpu.memory_space<vmem_shared>>) offsets(%dma_start3A_131 : memref<80xi32, #tpu.memory_space<vmem>>) semaphore(%run_scoped3A : memref<!tpu.dma_semaphore, #tpu.memory_space<semaphore_mem>>) {add = true}
        %dma_wait3A_135 = arith.constant 0 : i32
        %dma_wait3A_136 = tpu.memref_slice %arg8[%add3A_64, %dma_wait3A_135] : memref<125x80xi32, #tpu.memory_space<vmem>> -> memref<1x80xi32, #tpu.memory_space<vmem>>
        %dma_wait3A_137 = tpu.memref_squeeze %dma_wait3A_136 : memref<1x80xi32, #tpu.memory_space<vmem>> -> memref<80xi32, #tpu.memory_space<vmem>>
        %dma_wait3A_138 = arith.constant 0 : i32
        %dma_wait3A_139 = arith.constant 0 : i32
        %dma_wait3A_140 = tpu.memref_slice %arg14[%dma_wait3A_138, %dma_wait3A_139] : memref<10240x80xf32, #tpu.memory_space<vmem_shared>> -> memref<10240x80xf32, #tpu.memory_space<vmem_shared>>
        tpu.wait_indirect_dma semaphore(%run_scoped3A : memref<!tpu.dma_semaphore, #tpu.memory_space<semaphore_mem>>) src(%arg10 : memref<80x80xf32, #tpu.memory_space<vmem>>) dst(%dma_wait3A_140 : memref<10240x80xf32, #tpu.memory_space<vmem_shared>>)
        tpu.yield
      }) : () -> ()
      %add3A_71 = arith.constant 5 : i32
      %add3A_72 = arith.addi %add3A_64, %add3A_71 : i32
      %lt3A_73 = arith.constant 125 : i32
      %lt3A_74 = arith.cmpi slt, %add3A_72, %lt3A_73 : i32
      %convert_element_type3A_75 = arith.extui %lt3A_74 : i1 to i32
      %cond3A_76 = arith.constant 0 : i32
      %cond3A_77 = arith.cmpi ne, %convert_element_type3A_75, %cond3A_76 : i32
      scf.if %cond3A_77 {
        %add3A_129 = arith.constant 5 : i32
        %add3A_130 = arith.addi %add3A_64, %add3A_129 : i32
        %dma_start3A_131 = arith.constant 0 : i32
        %dma_start3A_132 = tpu.memref_slice %arg7[%add3A_130, %dma_start3A_131] : memref<125x80xi32, #tpu.memory_space<vmem>> -> memref<1x80xi32, #tpu.memory_space<vmem>>
        %dma_start3A_133 = tpu.memref_squeeze %dma_start3A_132 : memref<1x80xi32, #tpu.memory_space<vmem>> -> memref<80xi32, #tpu.memory_space<vmem>>
        %dma_start3A_134 = arith.constant 0 : i32
        %dma_start3A_135 = arith.constant 0 : i32
        %dma_start3A_136 = tpu.memref_slice %arg2[%dma_start3A_134, %dma_start3A_135] : memref<10000x80xf32, #tpu.memory_space<hbm>> -> memref<10000x80xf32, #tpu.memory_space<hbm>>
        tpu.enqueue_indirect_dma source(%dma_start3A_136 : memref<10000x80xf32, #tpu.memory_space<hbm>>) target(%arg10 : memref<80x80xf32, #tpu.memory_space<vmem>>) offsets(%dma_start3A_133 : memref<80xi32, #tpu.memory_space<vmem>>) semaphore(%arg16 : memref<!tpu.dma_semaphore, #tpu.memory_space<semaphore_mem>>)
      } else {
      }
      %mul3A_78 = arith.constant 5 : i32
      %mul3A_79 = arith.muli %scan3A_47, %mul3A_78 : i32
      %add3A_80 = arith.constant 2 : i32
      %add3A_81 = arith.addi %mul3A_79, %add3A_80 : i32
      %dma_wait3A_82 = arith.constant 0 : i32
      %dma_wait3A_83 = tpu.memref_slice %arg7[%add3A_81, %dma_wait3A_82] : memref<125x80xi32, #tpu.memory_space<vmem>> -> memref<1x80xi32, #tpu.memory_space<vmem>>
      %dma_wait3A_84 = tpu.memref_squeeze %dma_wait3A_83 : memref<1x80xi32, #tpu.memory_space<vmem>> -> memref<80xi32, #tpu.memory_space<vmem>>
      %dma_wait3A_85 = arith.constant 0 : i32
      %dma_wait3A_86 = arith.constant 0 : i32
      %dma_wait3A_87 = tpu.memref_slice %arg2[%dma_wait3A_85, %dma_wait3A_86] : memref<10000x80xf32, #tpu.memory_space<hbm>> -> memref<10000x80xf32, #tpu.memory_space<hbm>>
      tpu.wait_indirect_dma semaphore(%arg17 : memref<!tpu.dma_semaphore, #tpu.memory_space<semaphore_mem>>) src(%dma_wait3A_87 : memref<10000x80xf32, #tpu.memory_space<hbm>>) dst(%arg11 : memref<80x80xf32, #tpu.memory_space<vmem>>)
      "tpu.region"() ({
        %run_scoped3A = tpu.sem_alloc : memref<!tpu.dma_semaphore, #tpu.memory_space<semaphore_mem>>
        %dma_start3A_129 = arith.constant 0 : i32
        %dma_start3A_130 = tpu.memref_slice %arg8[%add3A_81, %dma_start3A_129] : memref<125x80xi32, #tpu.memory_space<vmem>> -> memref<1x80xi32, #tpu.memory_space<vmem>>
        %dma_start3A_131 = tpu.memref_squeeze %dma_start3A_130 : memref<1x80xi32, #tpu.memory_space<vmem>> -> memref<80xi32, #tpu.memory_space<vmem>>
        %dma_start3A_132 = arith.constant 0 : i32
        %dma_start3A_133 = arith.constant 0 : i32
        %dma_start3A_134 = tpu.memref_slice %arg14[%dma_start3A_132, %dma_start3A_133] : memref<10240x80xf32, #tpu.memory_space<vmem_shared>> -> memref<10240x80xf32, #tpu.memory_space<vmem_shared>>
        tpu.enqueue_indirect_dma source(%arg11 : memref<80x80xf32, #tpu.memory_space<vmem>>) target(%dma_start3A_134 : memref<10240x80xf32, #tpu.memory_space<vmem_shared>>) offsets(%dma_start3A_131 : memref<80xi32, #tpu.memory_space<vmem>>) semaphore(%run_scoped3A : memref<!tpu.dma_semaphore, #tpu.memory_space<semaphore_mem>>) {add = true}
        %dma_wait3A_135 = arith.constant 0 : i32
        %dma_wait3A_136 = tpu.memref_slice %arg8[%add3A_81, %dma_wait3A_135] : memref<125x80xi32, #tpu.memory_space<vmem>> -> memref<1x80xi32, #tpu.memory_space<vmem>>
        %dma_wait3A_137 = tpu.memref_squeeze %dma_wait3A_136 : memref<1x80xi32, #tpu.memory_space<vmem>> -> memref<80xi32, #tpu.memory_space<vmem>>
        %dma_wait3A_138 = arith.constant 0 : i32
        %dma_wait3A_139 = arith.constant 0 : i32
        %dma_wait3A_140 = tpu.memref_slice %arg14[%dma_wait3A_138, %dma_wait3A_139] : memref<10240x80xf32, #tpu.memory_space<vmem_shared>> -> memref<10240x80xf32, #tpu.memory_space<vmem_shared>>
        tpu.wait_indirect_dma semaphore(%run_scoped3A : memref<!tpu.dma_semaphore, #tpu.memory_space<semaphore_mem>>) src(%arg11 : memref<80x80xf32, #tpu.memory_space<vmem>>) dst(%dma_wait3A_140 : memref<10240x80xf32, #tpu.memory_space<vmem_shared>>)
        tpu.yield
      }) : () -> ()
      %add3A_88 = arith.constant 5 : i32
      %add3A_89 = arith.addi %add3A_81, %add3A_88 : i32
      %lt3A_90 = arith.constant 125 : i32
      %lt3A_91 = arith.cmpi slt, %add3A_89, %lt3A_90 : i32
      %convert_element_type3A_92 = arith.extui %lt3A_91 : i1 to i32
      %cond3A_93 = arith.constant 0 : i32
      %cond3A_94 = arith.cmpi ne, %convert_element_type3A_92, %cond3A_93 : i32
      scf.if %cond3A_94 {
        %add3A_129 = arith.constant 5 : i32
        %add3A_130 = arith.addi %add3A_81, %add3A_129 : i32
        %dma_start3A_131 = arith.constant 0 : i32
        %dma_start3A_132 = tpu.memref_slice %arg7[%add3A_130, %dma_start3A_131] : memref<125x80xi32, #tpu.memory_space<vmem>> -> memref<1x80xi32, #tpu.memory_space<vmem>>
        %dma_start3A_133 = tpu.memref_squeeze %dma_start3A_132 : memref<1x80xi32, #tpu.memory_space<vmem>> -> memref<80xi32, #tpu.memory_space<vmem>>
        %dma_start3A_134 = arith.constant 0 : i32
        %dma_start3A_135 = arith.constant 0 : i32
        %dma_start3A_136 = tpu.memref_slice %arg2[%dma_start3A_134, %dma_start3A_135] : memref<10000x80xf32, #tpu.memory_space<hbm>> -> memref<10000x80xf32, #tpu.memory_space<hbm>>
        tpu.enqueue_indirect_dma source(%dma_start3A_136 : memref<10000x80xf32, #tpu.memory_space<hbm>>) target(%arg11 : memref<80x80xf32, #tpu.memory_space<vmem>>) offsets(%dma_start3A_133 : memref<80xi32, #tpu.memory_space<vmem>>) semaphore(%arg17 : memref<!tpu.dma_semaphore, #tpu.memory_space<semaphore_mem>>)
      } else {
      }
      %mul3A_95 = arith.constant 5 : i32
      %mul3A_96 = arith.muli %scan3A_47, %mul3A_95 : i32
      %add3A_97 = arith.constant 3 : i32
      %add3A_98 = arith.addi %mul3A_96, %add3A_97 : i32
      %dma_wait3A_99 = arith.constant 0 : i32
      %dma_wait3A_100 = tpu.memref_slice %arg7[%add3A_98, %dma_wait3A_99] : memref<125x80xi32, #tpu.memory_space<vmem>> -> memref<1x80xi32, #tpu.memory_space<vmem>>
      %dma_wait3A_101 = tpu.memref_squeeze %dma_wait3A_100 : memref<1x80xi32, #tpu.memory_space<vmem>> -> memref<80xi32, #tpu.memory_space<vmem>>
      %dma_wait3A_102 = arith.constant 0 : i32
      %dma_wait3A_103 = arith.constant 0 : i32
      %dma_wait3A_104 = tpu.memref_slice %arg2[%dma_wait3A_102, %dma_wait3A_103] : memref<10000x80xf32, #tpu.memory_space<hbm>> -> memref<10000x80xf32, #tpu.memory_space<hbm>>
      tpu.wait_indirect_dma semaphore(%arg18 : memref<!tpu.dma_semaphore, #tpu.memory_space<semaphore_mem>>) src(%dma_wait3A_104 : memref<10000x80xf32, #tpu.memory_space<hbm>>) dst(%arg12 : memref<80x80xf32, #tpu.memory_space<vmem>>)
      "tpu.region"() ({
        %run_scoped3A = tpu.sem_alloc : memref<!tpu.dma_semaphore, #tpu.memory_space<semaphore_mem>>
        %dma_start3A_129 = arith.constant 0 : i32
        %dma_start3A_130 = tpu.memref_slice %arg8[%add3A_98, %dma_start3A_129] : memref<125x80xi32, #tpu.memory_space<vmem>> -> memref<1x80xi32, #tpu.memory_space<vmem>>
        %dma_start3A_131 = tpu.memref_squeeze %dma_start3A_130 : memref<1x80xi32, #tpu.memory_space<vmem>> -> memref<80xi32, #tpu.memory_space<vmem>>
        %dma_start3A_132 = arith.constant 0 : i32
        %dma_start3A_133 = arith.constant 0 : i32
        %dma_start3A_134 = tpu.memref_slice %arg14[%dma_start3A_132, %dma_start3A_133] : memref<10240x80xf32, #tpu.memory_space<vmem_shared>> -> memref<10240x80xf32, #tpu.memory_space<vmem_shared>>
        tpu.enqueue_indirect_dma source(%arg12 : memref<80x80xf32, #tpu.memory_space<vmem>>) target(%dma_start3A_134 : memref<10240x80xf32, #tpu.memory_space<vmem_shared>>) offsets(%dma_start3A_131 : memref<80xi32, #tpu.memory_space<vmem>>) semaphore(%run_scoped3A : memref<!tpu.dma_semaphore, #tpu.memory_space<semaphore_mem>>) {add = true}
        %dma_wait3A_135 = arith.constant 0 : i32
        %dma_wait3A_136 = tpu.memref_slice %arg8[%add3A_98, %dma_wait3A_135] : memref<125x80xi32, #tpu.memory_space<vmem>> -> memref<1x80xi32, #tpu.memory_space<vmem>>
        %dma_wait3A_137 = tpu.memref_squeeze %dma_wait3A_136 : memref<1x80xi32, #tpu.memory_space<vmem>> -> memref<80xi32, #tpu.memory_space<vmem>>
        %dma_wait3A_138 = arith.constant 0 : i32
        %dma_wait3A_139 = arith.constant 0 : i32
        %dma_wait3A_140 = tpu.memref_slice %arg14[%dma_wait3A_138, %dma_wait3A_139] : memref<10240x80xf32, #tpu.memory_space<vmem_shared>> -> memref<10240x80xf32, #tpu.memory_space<vmem_shared>>
        tpu.wait_indirect_dma semaphore(%run_scoped3A : memref<!tpu.dma_semaphore, #tpu.memory_space<semaphore_mem>>) src(%arg12 : memref<80x80xf32, #tpu.memory_space<vmem>>) dst(%dma_wait3A_140 : memref<10240x80xf32, #tpu.memory_space<vmem_shared>>)
        tpu.yield
      }) : () -> ()
      %add3A_105 = arith.constant 5 : i32
      %add3A_106 = arith.addi %add3A_98, %add3A_105 : i32
      %lt3A_107 = arith.constant 125 : i32
      %lt3A_108 = arith.cmpi slt, %add3A_106, %lt3A_107 : i32
      %convert_element_type3A_109 = arith.extui %lt3A_108 : i1 to i32
      %cond3A_110 = arith.constant 0 : i32
      %cond3A_111 = arith.cmpi ne, %convert_element_type3A_109, %cond3A_110 : i32
      scf.if %cond3A_111 {
        %add3A_129 = arith.constant 5 : i32
        %add3A_130 = arith.addi %add3A_98, %add3A_129 : i32
        %dma_start3A_131 = arith.constant 0 : i32
        %dma_start3A_132 = tpu.memref_slice %arg7[%add3A_130, %dma_start3A_131] : memref<125x80xi32, #tpu.memory_space<vmem>> -> memref<1x80xi32, #tpu.memory_space<vmem>>
        %dma_start3A_133 = tpu.memref_squeeze %dma_start3A_132 : memref<1x80xi32, #tpu.memory_space<vmem>> -> memref<80xi32, #tpu.memory_space<vmem>>
        %dma_start3A_134 = arith.constant 0 : i32
        %dma_start3A_135 = arith.constant 0 : i32
        %dma_start3A_136 = tpu.memref_slice %arg2[%dma_start3A_134, %dma_start3A_135] : memref<10000x80xf32, #tpu.memory_space<hbm>> -> memref<10000x80xf32, #tpu.memory_space<hbm>>
        tpu.enqueue_indirect_dma source(%dma_start3A_136 : memref<10000x80xf32, #tpu.memory_space<hbm>>) target(%arg12 : memref<80x80xf32, #tpu.memory_space<vmem>>) offsets(%dma_start3A_133 : memref<80xi32, #tpu.memory_space<vmem>>) semaphore(%arg18 : memref<!tpu.dma_semaphore, #tpu.memory_space<semaphore_mem>>)
      } else {
      }
      %mul3A_112 = arith.constant 5 : i32
      %mul3A_113 = arith.muli %scan3A_47, %mul3A_112 : i32
      %add3A_114 = arith.constant 4 : i32
      %add3A_115 = arith.addi %mul3A_113, %add3A_114 : i32
      %dma_wait3A_116 = arith.constant 0 : i32
      %dma_wait3A_117 = tpu.memref_slice %arg7[%add3A_115, %dma_wait3A_116] : memref<125x80xi32, #tpu.memory_space<vmem>> -> memref<1x80xi32, #tpu.memory_space<vmem>>
      %dma_wait3A_118 = tpu.memref_squeeze %dma_wait3A_117 : memref<1x80xi32, #tpu.memory_space<vmem>> -> memref<80xi32, #tpu.memory_space<vmem>>
      %dma_wait3A_119 = arith.constant 0 : i32
      %dma_wait3A_120 = arith.constant 0 : i32
      %dma_wait3A_121 = tpu.memref_slice %arg2[%dma_wait3A_119, %dma_wait3A_120] : memref<10000x80xf32, #tpu.memory_space<hbm>> -> memref<10000x80xf32, #tpu.memory_space<hbm>>
      tpu.wait_indirect_dma semaphore(%arg19 : memref<!tpu.dma_semaphore, #tpu.memory_space<semaphore_mem>>) src(%dma_wait3A_121 : memref<10000x80xf32, #tpu.memory_space<hbm>>) dst(%arg13 : memref<80x80xf32, #tpu.memory_space<vmem>>)
      "tpu.region"() ({
        %run_scoped3A = tpu.sem_alloc : memref<!tpu.dma_semaphore, #tpu.memory_space<semaphore_mem>>
        %dma_start3A_129 = arith.constant 0 : i32
        %dma_start3A_130 = tpu.memref_slice %arg8[%add3A_115, %dma_start3A_129] : memref<125x80xi32, #tpu.memory_space<vmem>> -> memref<1x80xi32, #tpu.memory_space<vmem>>
        %dma_start3A_131 = tpu.memref_squeeze %dma_start3A_130 : memref<1x80xi32, #tpu.memory_space<vmem>> -> memref<80xi32, #tpu.memory_space<vmem>>
        %dma_start3A_132 = arith.constant 0 : i32
        %dma_start3A_133 = arith.constant 0 : i32
        %dma_start3A_134 = tpu.memref_slice %arg14[%dma_start3A_132, %dma_start3A_133] : memref<10240x80xf32, #tpu.memory_space<vmem_shared>> -> memref<10240x80xf32, #tpu.memory_space<vmem_shared>>
        tpu.enqueue_indirect_dma source(%arg13 : memref<80x80xf32, #tpu.memory_space<vmem>>) target(%dma_start3A_134 : memref<10240x80xf32, #tpu.memory_space<vmem_shared>>) offsets(%dma_start3A_131 : memref<80xi32, #tpu.memory_space<vmem>>) semaphore(%run_scoped3A : memref<!tpu.dma_semaphore, #tpu.memory_space<semaphore_mem>>) {add = true}
        %dma_wait3A_135 = arith.constant 0 : i32
        %dma_wait3A_136 = tpu.memref_slice %arg8[%add3A_115, %dma_wait3A_135] : memref<125x80xi32, #tpu.memory_space<vmem>> -> memref<1x80xi32, #tpu.memory_space<vmem>>
        %dma_wait3A_137 = tpu.memref_squeeze %dma_wait3A_136 : memref<1x80xi32, #tpu.memory_space<vmem>> -> memref<80xi32, #tpu.memory_space<vmem>>
        %dma_wait3A_138 = arith.constant 0 : i32
        %dma_wait3A_139 = arith.constant 0 : i32
        %dma_wait3A_140 = tpu.memref_slice %arg14[%dma_wait3A_138, %dma_wait3A_139] : memref<10240x80xf32, #tpu.memory_space<vmem_shared>> -> memref<10240x80xf32, #tpu.memory_space<vmem_shared>>
        tpu.wait_indirect_dma semaphore(%run_scoped3A : memref<!tpu.dma_semaphore, #tpu.memory_space<semaphore_mem>>) src(%arg13 : memref<80x80xf32, #tpu.memory_space<vmem>>) dst(%dma_wait3A_140 : memref<10240x80xf32, #tpu.memory_space<vmem_shared>>)
        tpu.yield
      }) : () -> ()
      %add3A_122 = arith.constant 5 : i32
      %add3A_123 = arith.addi %add3A_115, %add3A_122 : i32
      %lt3A_124 = arith.constant 125 : i32
      %lt3A_125 = arith.cmpi slt, %add3A_123, %lt3A_124 : i32
      %convert_element_type3A_126 = arith.extui %lt3A_125 : i1 to i32
      %cond3A_127 = arith.constant 0 : i32
      %cond3A_128 = arith.cmpi ne, %convert_element_type3A_126, %cond3A_127 : i32
      scf.if %cond3A_128 {
        %add3A_129 = arith.constant 5 : i32
        %add3A_130 = arith.addi %add3A_115, %add3A_129 : i32
        %dma_start3A_131 = arith.constant 0 : i32
        %dma_start3A_132 = tpu.memref_slice %arg7[%add3A_130, %dma_start3A_131] : memref<125x80xi32, #tpu.memory_space<vmem>> -> memref<1x80xi32, #tpu.memory_space<vmem>>
        %dma_start3A_133 = tpu.memref_squeeze %dma_start3A_132 : memref<1x80xi32, #tpu.memory_space<vmem>> -> memref<80xi32, #tpu.memory_space<vmem>>
        %dma_start3A_134 = arith.constant 0 : i32
        %dma_start3A_135 = arith.constant 0 : i32
        %dma_start3A_136 = tpu.memref_slice %arg2[%dma_start3A_134, %dma_start3A_135] : memref<10000x80xf32, #tpu.memory_space<hbm>> -> memref<10000x80xf32, #tpu.memory_space<hbm>>
        tpu.enqueue_indirect_dma source(%dma_start3A_136 : memref<10000x80xf32, #tpu.memory_space<hbm>>) target(%arg13 : memref<80x80xf32, #tpu.memory_space<vmem>>) offsets(%dma_start3A_133 : memref<80xi32, #tpu.memory_space<vmem>>) semaphore(%arg19 : memref<!tpu.dma_semaphore, #tpu.memory_space<semaphore_mem>>)
      } else {
      }
    }
    %scan3A_45 = arith.constant 25 : i32
    %barrier3A_46 = arith.constant 0 : index
    tpu.barrier barrier_id(%barrier3A_46)
    "tpu.region"() ({
      %run_scoped3A = tpu.sem_alloc : memref<!tpu.dma_semaphore, #tpu.memory_space<semaphore_mem>>
      %dma_start3A_47 = arith.constant 0 : i32
      %dma_start3A_48 = tpu.memref_slice %arg6[%arg0, %mul3A_2, %dma_start3A_47] : memref<2x10240x80xf32, #tpu.memory_space<hbm>> -> memref<1x640x80xf32, #tpu.memory_space<hbm>>
      %dma_start3A_49 = tpu.memref_squeeze %dma_start3A_48 : memref<1x640x80xf32, #tpu.memory_space<hbm>> -> memref<640x80xf32, #tpu.memory_space<hbm>>
      %dma_start3A_50 = arith.constant 0 : i32
      %dma_start3A_51 = tpu.memref_slice %arg14[%mul3A_2, %dma_start3A_50] : memref<10240x80xf32, #tpu.memory_space<vmem_shared>> -> memref<640x80xf32, #tpu.memory_space<vmem_shared>>
      tpu.enqueue_dma source(%dma_start3A_51 : memref<640x80xf32, #tpu.memory_space<vmem_shared>>) target(%dma_start3A_49 : memref<640x80xf32, #tpu.memory_space<hbm>>) target_semaphore(%run_scoped3A : memref<!tpu.dma_semaphore, #tpu.memory_space<semaphore_mem>>)
      %dma_wait3A = arith.constant 0 : i32
      %dma_wait3A_52 = tpu.memref_slice %arg6[%arg0, %mul3A_2, %dma_wait3A] : memref<2x10240x80xf32, #tpu.memory_space<hbm>> -> memref<1x640x80xf32, #tpu.memory_space<hbm>>
      %dma_wait3A_53 = tpu.memref_squeeze %dma_wait3A_52 : memref<1x640x80xf32, #tpu.memory_space<hbm>> -> memref<640x80xf32, #tpu.memory_space<hbm>>
      %dma_wait3A_54 = arith.constant 0 : i32
      %dma_wait3A_55 = tpu.memref_slice %arg14[%mul3A_2, %dma_wait3A_54] : memref<10240x80xf32, #tpu.memory_space<vmem_shared>> -> memref<640x80xf32, #tpu.memory_space<vmem_shared>>
      tpu.wait_dma2 semaphore(%run_scoped3A : memref<!tpu.dma_semaphore, #tpu.memory_space<semaphore_mem>>) src(%dma_wait3A_55 : memref<640x80xf32, #tpu.memory_space<vmem_shared>>) dst(%dma_wait3A_53 : memref<640x80xf32, #tpu.memory_space<hbm>>)
      tpu.yield
    }) : () -> ()
    return
  }
}

#map = affine_map<(d0, d1) -> (0, 0)>
#map1 = affine_map<(d0, d1) -> (0, 0, 0)>
module attributes {stable_mosaic.version = 14 : i64} {
  func.func @seg(%arg0: i32, %arg1: i32, %arg2: memref<10000x32xf32, #tpu.memory_space<hbm>>, %arg3: memref<4000x80xi32, #tpu.memory_space<hbm>>, %arg4: memref<4000x80xi32, #tpu.memory_space<hbm>>, %arg5: memref<10240x32xf32, #tpu.memory_space<hbm>>, %arg6: memref<2x10240x32xf32, #tpu.memory_space<hbm>>, %arg7: memref<125x80xi32, #tpu.memory_space<vmem>>, %arg8: memref<125x80xi32, #tpu.memory_space<vmem>>, %arg9: memref<80x32xf32, #tpu.memory_space<vmem>>, %arg10: memref<80x32xf32, #tpu.memory_space<vmem>>, %arg11: memref<80x32xf32, #tpu.memory_space<vmem>>, %arg12: memref<80x32xf32, #tpu.memory_space<vmem>>, %arg13: memref<80x32xf32, #tpu.memory_space<vmem>>, %arg14: memref<10240x32xf32, #tpu.memory_space<vmem_shared>>, %arg15: memref<!tpu.dma_semaphore, #tpu.memory_space<semaphore_mem>>, %arg16: memref<!tpu.dma_semaphore, #tpu.memory_space<semaphore_mem>>, %arg17: memref<!tpu.dma_semaphore, #tpu.memory_space<semaphore_mem>>, %arg18: memref<!tpu.dma_semaphore, #tpu.memory_space<semaphore_mem>>, %arg19: memref<!tpu.dma_semaphore, #tpu.memory_space<semaphore_mem>>) attributes {dimension_semantics = [#tpu.dimension_semantics<core_parallel>, #tpu.dimension_semantics<subcore_parallel>], iteration_bounds = array<i64: 2, 16>, scalar_prefetch = 0 : i64, scratch_operands = 13 : i64, tpu.core_type = #tpu.core_type<sc_vector_subcore>, window_params = [{transform_indices = #map}, {transform_indices = #map}, {transform_indices = #map}, {transform_indices = #map}, {transform_indices = #map1}]} {
    %mul3A = arith.constant 16 : i32
    %mul3A_0 = arith.muli %arg0, %mul3A : i32
    %add3A = arith.addi %mul3A_0, %arg1 : i32
    %mul3A_1 = arith.constant 640 : i32
    %mul3A_2 = arith.muli %arg1, %mul3A_1 : i32
    %mul3A_3 = arith.constant 125 : i32
    %mul3A_4 = arith.muli %add3A, %mul3A_3 : i32
    "tpu.region"() ({
      %run_scoped3A = tpu.sem_alloc : memref<!tpu.dma_semaphore, #tpu.memory_space<semaphore_mem>>
      %dma_start3A_47 = arith.constant 0 : i32
      %dma_start3A_48 = tpu.memref_slice %arg3[%mul3A_4, %dma_start3A_47] : memref<4000x80xi32, #tpu.memory_space<hbm>> -> memref<125x80xi32, #tpu.memory_space<hbm>>
      %dma_start3A_49 = arith.constant 0 : i32
      %dma_start3A_50 = tpu.memref_slice %arg3[%mul3A_4, %dma_start3A_49] : memref<4000x80xi32, #tpu.memory_space<hbm>> -> memref<125x80xi32, #tpu.memory_space<hbm>>
      tpu.enqueue_dma source(%dma_start3A_50 : memref<125x80xi32, #tpu.memory_space<hbm>>) target(%arg7 : memref<125x80xi32, #tpu.memory_space<vmem>>) target_semaphore(%run_scoped3A : memref<!tpu.dma_semaphore, #tpu.memory_space<semaphore_mem>>)
      %dma_wait3A = arith.constant 0 : i32
      %dma_wait3A_51 = tpu.memref_slice %arg3[%mul3A_4, %dma_wait3A] : memref<4000x80xi32, #tpu.memory_space<hbm>> -> memref<125x80xi32, #tpu.memory_space<hbm>>
      %dma_wait3A_52 = arith.constant 0 : i32
      %dma_wait3A_53 = tpu.memref_slice %arg3[%mul3A_4, %dma_wait3A_52] : memref<4000x80xi32, #tpu.memory_space<hbm>> -> memref<125x80xi32, #tpu.memory_space<hbm>>
      tpu.wait_dma2 semaphore(%run_scoped3A : memref<!tpu.dma_semaphore, #tpu.memory_space<semaphore_mem>>) src(%dma_wait3A_53 : memref<125x80xi32, #tpu.memory_space<hbm>>) dst(%arg7 : memref<125x80xi32, #tpu.memory_space<vmem>>)
      tpu.yield
    }) : () -> ()
    %mul3A_5 = arith.constant 125 : i32
    %mul3A_6 = arith.muli %add3A, %mul3A_5 : i32
    "tpu.region"() ({
      %run_scoped3A = tpu.sem_alloc : memref<!tpu.dma_semaphore, #tpu.memory_space<semaphore_mem>>
      %dma_start3A_47 = arith.constant 0 : i32
      %dma_start3A_48 = tpu.memref_slice %arg4[%mul3A_6, %dma_start3A_47] : memref<4000x80xi32, #tpu.memory_space<hbm>> -> memref<125x80xi32, #tpu.memory_space<hbm>>
      %dma_start3A_49 = arith.constant 0 : i32
      %dma_start3A_50 = tpu.memref_slice %arg4[%mul3A_6, %dma_start3A_49] : memref<4000x80xi32, #tpu.memory_space<hbm>> -> memref<125x80xi32, #tpu.memory_space<hbm>>
      tpu.enqueue_dma source(%dma_start3A_50 : memref<125x80xi32, #tpu.memory_space<hbm>>) target(%arg8 : memref<125x80xi32, #tpu.memory_space<vmem>>) target_semaphore(%run_scoped3A : memref<!tpu.dma_semaphore, #tpu.memory_space<semaphore_mem>>)
      %dma_wait3A = arith.constant 0 : i32
      %dma_wait3A_51 = tpu.memref_slice %arg4[%mul3A_6, %dma_wait3A] : memref<4000x80xi32, #tpu.memory_space<hbm>> -> memref<125x80xi32, #tpu.memory_space<hbm>>
      %dma_wait3A_52 = arith.constant 0 : i32
      %dma_wait3A_53 = tpu.memref_slice %arg4[%mul3A_6, %dma_wait3A_52] : memref<4000x80xi32, #tpu.memory_space<hbm>> -> memref<125x80xi32, #tpu.memory_space<hbm>>
      tpu.wait_dma2 semaphore(%run_scoped3A : memref<!tpu.dma_semaphore, #tpu.memory_space<semaphore_mem>>) src(%dma_wait3A_53 : memref<125x80xi32, #tpu.memory_space<hbm>>) dst(%arg8 : memref<125x80xi32, #tpu.memory_space<vmem>>)
      tpu.yield
    }) : () -> ()
    "tpu.region"() ({
      %run_scoped3A = tpu.sem_alloc : memref<!tpu.dma_semaphore, #tpu.memory_space<semaphore_mem>>
      %dma_start3A_47 = arith.constant 0 : i32
      %dma_start3A_48 = tpu.memref_slice %arg14[%mul3A_2, %dma_start3A_47] : memref<10240x32xf32, #tpu.memory_space<vmem_shared>> -> memref<640x32xf32, #tpu.memory_space<vmem_shared>>
      %dma_start3A_49 = arith.constant 0 : i32
      %dma_start3A_50 = tpu.memref_slice %arg5[%mul3A_2, %dma_start3A_49] : memref<10240x32xf32, #tpu.memory_space<hbm>> -> memref<640x32xf32, #tpu.memory_space<hbm>>
      tpu.enqueue_dma source(%dma_start3A_50 : memref<640x32xf32, #tpu.memory_space<hbm>>) target(%dma_start3A_48 : memref<640x32xf32, #tpu.memory_space<vmem_shared>>) target_semaphore(%run_scoped3A : memref<!tpu.dma_semaphore, #tpu.memory_space<semaphore_mem>>)
      %dma_wait3A = arith.constant 0 : i32
      %dma_wait3A_51 = tpu.memref_slice %arg14[%mul3A_2, %dma_wait3A] : memref<10240x32xf32, #tpu.memory_space<vmem_shared>> -> memref<640x32xf32, #tpu.memory_space<vmem_shared>>
      %dma_wait3A_52 = arith.constant 0 : i32
      %dma_wait3A_53 = tpu.memref_slice %arg5[%mul3A_2, %dma_wait3A_52] : memref<10240x32xf32, #tpu.memory_space<hbm>> -> memref<640x32xf32, #tpu.memory_space<hbm>>
      tpu.wait_dma2 semaphore(%run_scoped3A : memref<!tpu.dma_semaphore, #tpu.memory_space<semaphore_mem>>) src(%dma_wait3A_53 : memref<640x32xf32, #tpu.memory_space<hbm>>) dst(%dma_wait3A_51 : memref<640x32xf32, #tpu.memory_space<vmem_shared>>)
      tpu.yield
    }) : () -> ()
    %barrier3A = arith.constant 0 : index
    tpu.barrier barrier_id(%barrier3A)
    %dma_start3A = arith.constant 0 : i32
    %dma_start3A_7 = arith.constant 0 : i32
    %dma_start3A_8 = tpu.memref_slice %arg7[%dma_start3A, %dma_start3A_7] : memref<125x80xi32, #tpu.memory_space<vmem>> -> memref<1x80xi32, #tpu.memory_space<vmem>>
    %dma_start3A_9 = tpu.memref_squeeze %dma_start3A_8 : memref<1x80xi32, #tpu.memory_space<vmem>> -> memref<80xi32, #tpu.memory_space<vmem>>
    %dma_start3A_10 = arith.constant 0 : i32
    %dma_start3A_11 = arith.constant 0 : i32
    %dma_start3A_12 = tpu.memref_slice %arg2[%dma_start3A_10, %dma_start3A_11] : memref<10000x32xf32, #tpu.memory_space<hbm>> -> memref<10000x32xf32, #tpu.memory_space<hbm>>
    tpu.enqueue_indirect_dma source(%dma_start3A_12 : memref<10000x32xf32, #tpu.memory_space<hbm>>) target(%arg9 : memref<80x32xf32, #tpu.memory_space<vmem>>) offsets(%dma_start3A_9 : memref<80xi32, #tpu.memory_space<vmem>>) semaphore(%arg15 : memref<!tpu.dma_semaphore, #tpu.memory_space<semaphore_mem>>)
    %dma_start3A_13 = arith.constant 1 : i32
    %dma_start3A_14 = arith.constant 0 : i32
    %dma_start3A_15 = tpu.memref_slice %arg7[%dma_start3A_13, %dma_start3A_14] : memref<125x80xi32, #tpu.memory_space<vmem>> -> memref<1x80xi32, #tpu.memory_space<vmem>>
    %dma_start3A_16 = tpu.memref_squeeze %dma_start3A_15 : memref<1x80xi32, #tpu.memory_space<vmem>> -> memref<80xi32, #tpu.memory_space<vmem>>
    %dma_start3A_17 = arith.constant 0 : i32
    %dma_start3A_18 = arith.constant 0 : i32
    %dma_start3A_19 = tpu.memref_slice %arg2[%dma_start3A_17, %dma_start3A_18] : memref<10000x32xf32, #tpu.memory_space<hbm>> -> memref<10000x32xf32, #tpu.memory_space<hbm>>
    tpu.enqueue_indirect_dma source(%dma_start3A_19 : memref<10000x32xf32, #tpu.memory_space<hbm>>) target(%arg10 : memref<80x32xf32, #tpu.memory_space<vmem>>) offsets(%dma_start3A_16 : memref<80xi32, #tpu.memory_space<vmem>>) semaphore(%arg16 : memref<!tpu.dma_semaphore, #tpu.memory_space<semaphore_mem>>)
    %dma_start3A_20 = arith.constant 2 : i32
    %dma_start3A_21 = arith.constant 0 : i32
    %dma_start3A_22 = tpu.memref_slice %arg7[%dma_start3A_20, %dma_start3A_21] : memref<125x80xi32, #tpu.memory_space<vmem>> -> memref<1x80xi32, #tpu.memory_space<vmem>>
    %dma_start3A_23 = tpu.memref_squeeze %dma_start3A_22 : memref<1x80xi32, #tpu.memory_space<vmem>> -> memref<80xi32, #tpu.memory_space<vmem>>
    %dma_start3A_24 = arith.constant 0 : i32
    %dma_start3A_25 = arith.constant 0 : i32
    %dma_start3A_26 = tpu.memref_slice %arg2[%dma_start3A_24, %dma_start3A_25] : memref<10000x32xf32, #tpu.memory_space<hbm>> -> memref<10000x32xf32, #tpu.memory_space<hbm>>
    tpu.enqueue_indirect_dma source(%dma_start3A_26 : memref<10000x32xf32, #tpu.memory_space<hbm>>) target(%arg11 : memref<80x32xf32, #tpu.memory_space<vmem>>) offsets(%dma_start3A_23 : memref<80xi32, #tpu.memory_space<vmem>>) semaphore(%arg17 : memref<!tpu.dma_semaphore, #tpu.memory_space<semaphore_mem>>)
    %dma_start3A_27 = arith.constant 3 : i32
    %dma_start3A_28 = arith.constant 0 : i32
    %dma_start3A_29 = tpu.memref_slice %arg7[%dma_start3A_27, %dma_start3A_28] : memref<125x80xi32, #tpu.memory_space<vmem>> -> memref<1x80xi32, #tpu.memory_space<vmem>>
    %dma_start3A_30 = tpu.memref_squeeze %dma_start3A_29 : memref<1x80xi32, #tpu.memory_space<vmem>> -> memref<80xi32, #tpu.memory_space<vmem>>
    %dma_start3A_31 = arith.constant 0 : i32
    %dma_start3A_32 = arith.constant 0 : i32
    %dma_start3A_33 = tpu.memref_slice %arg2[%dma_start3A_31, %dma_start3A_32] : memref<10000x32xf32, #tpu.memory_space<hbm>> -> memref<10000x32xf32, #tpu.memory_space<hbm>>
    tpu.enqueue_indirect_dma source(%dma_start3A_33 : memref<10000x32xf32, #tpu.memory_space<hbm>>) target(%arg12 : memref<80x32xf32, #tpu.memory_space<vmem>>) offsets(%dma_start3A_30 : memref<80xi32, #tpu.memory_space<vmem>>) semaphore(%arg18 : memref<!tpu.dma_semaphore, #tpu.memory_space<semaphore_mem>>)
    %dma_start3A_34 = arith.constant 4 : i32
    %dma_start3A_35 = arith.constant 0 : i32
    %dma_start3A_36 = tpu.memref_slice %arg7[%dma_start3A_34, %dma_start3A_35] : memref<125x80xi32, #tpu.memory_space<vmem>> -> memref<1x80xi32, #tpu.memory_space<vmem>>
    %dma_start3A_37 = tpu.memref_squeeze %dma_start3A_36 : memref<1x80xi32, #tpu.memory_space<vmem>> -> memref<80xi32, #tpu.memory_space<vmem>>
    %dma_start3A_38 = arith.constant 0 : i32
    %dma_start3A_39 = arith.constant 0 : i32
    %dma_start3A_40 = tpu.memref_slice %arg2[%dma_start3A_38, %dma_start3A_39] : memref<10000x32xf32, #tpu.memory_space<hbm>> -> memref<10000x32xf32, #tpu.memory_space<hbm>>
    tpu.enqueue_indirect_dma source(%dma_start3A_40 : memref<10000x32xf32, #tpu.memory_space<hbm>>) target(%arg13 : memref<80x32xf32, #tpu.memory_space<vmem>>) offsets(%dma_start3A_37 : memref<80xi32, #tpu.memory_space<vmem>>) semaphore(%arg19 : memref<!tpu.dma_semaphore, #tpu.memory_space<semaphore_mem>>)
    %scan3A = arith.constant 0 : i32
    %scan3A_41 = arith.constant 0 : i32
    %scan3A_42 = arith.constant 25 : i32
    %scan3A_43 = arith.addi %scan3A_41, %scan3A_42 : i32
    %scan3A_44 = arith.constant 1 : i32
    scf.for %scan3A_47 = %scan3A_41 to %scan3A_43 step %scan3A_44  : i32 {
      %mul3A_48 = arith.constant 5 : i32
      %mul3A_49 = arith.muli %scan3A_47, %mul3A_48 : i32
      %add3A_50 = arith.constant 0 : i32
      %add3A_51 = arith.addi %mul3A_49, %add3A_50 : i32
      %dma_wait3A = arith.constant 0 : i32
      %dma_wait3A_52 = tpu.memref_slice %arg7[%add3A_51, %dma_wait3A] : memref<125x80xi32, #tpu.memory_space<vmem>> -> memref<1x80xi32, #tpu.memory_space<vmem>>
      %dma_wait3A_53 = tpu.memref_squeeze %dma_wait3A_52 : memref<1x80xi32, #tpu.memory_space<vmem>> -> memref<80xi32, #tpu.memory_space<vmem>>
      %dma_wait3A_54 = arith.constant 0 : i32
      %dma_wait3A_55 = arith.constant 0 : i32
      %dma_wait3A_56 = tpu.memref_slice %arg2[%dma_wait3A_54, %dma_wait3A_55] : memref<10000x32xf32, #tpu.memory_space<hbm>> -> memref<10000x32xf32, #tpu.memory_space<hbm>>
      tpu.wait_indirect_dma semaphore(%arg15 : memref<!tpu.dma_semaphore, #tpu.memory_space<semaphore_mem>>) src(%dma_wait3A_56 : memref<10000x32xf32, #tpu.memory_space<hbm>>) dst(%arg9 : memref<80x32xf32, #tpu.memory_space<vmem>>)
      "tpu.region"() ({
        %run_scoped3A = tpu.sem_alloc : memref<!tpu.dma_semaphore, #tpu.memory_space<semaphore_mem>>
        %dma_start3A_129 = arith.constant 0 : i32
        %dma_start3A_130 = tpu.memref_slice %arg8[%add3A_51, %dma_start3A_129] : memref<125x80xi32, #tpu.memory_space<vmem>> -> memref<1x80xi32, #tpu.memory_space<vmem>>
        %dma_start3A_131 = tpu.memref_squeeze %dma_start3A_130 : memref<1x80xi32, #tpu.memory_space<vmem>> -> memref<80xi32, #tpu.memory_space<vmem>>
        %dma_start3A_132 = arith.constant 0 : i32
        %dma_start3A_133 = arith.constant 0 : i32
        %dma_start3A_134 = tpu.memref_slice %arg14[%dma_start3A_132, %dma_start3A_133] : memref<10240x32xf32, #tpu.memory_space<vmem_shared>> -> memref<10240x32xf32, #tpu.memory_space<vmem_shared>>
        tpu.enqueue_indirect_dma source(%arg9 : memref<80x32xf32, #tpu.memory_space<vmem>>) target(%dma_start3A_134 : memref<10240x32xf32, #tpu.memory_space<vmem_shared>>) offsets(%dma_start3A_131 : memref<80xi32, #tpu.memory_space<vmem>>) semaphore(%run_scoped3A : memref<!tpu.dma_semaphore, #tpu.memory_space<semaphore_mem>>) {add = true}
        %dma_wait3A_135 = arith.constant 0 : i32
        %dma_wait3A_136 = tpu.memref_slice %arg8[%add3A_51, %dma_wait3A_135] : memref<125x80xi32, #tpu.memory_space<vmem>> -> memref<1x80xi32, #tpu.memory_space<vmem>>
        %dma_wait3A_137 = tpu.memref_squeeze %dma_wait3A_136 : memref<1x80xi32, #tpu.memory_space<vmem>> -> memref<80xi32, #tpu.memory_space<vmem>>
        %dma_wait3A_138 = arith.constant 0 : i32
        %dma_wait3A_139 = arith.constant 0 : i32
        %dma_wait3A_140 = tpu.memref_slice %arg14[%dma_wait3A_138, %dma_wait3A_139] : memref<10240x32xf32, #tpu.memory_space<vmem_shared>> -> memref<10240x32xf32, #tpu.memory_space<vmem_shared>>
        tpu.wait_indirect_dma semaphore(%run_scoped3A : memref<!tpu.dma_semaphore, #tpu.memory_space<semaphore_mem>>) src(%arg9 : memref<80x32xf32, #tpu.memory_space<vmem>>) dst(%dma_wait3A_140 : memref<10240x32xf32, #tpu.memory_space<vmem_shared>>)
        tpu.yield
      }) : () -> ()
      %add3A_57 = arith.constant 5 : i32
      %add3A_58 = arith.addi %add3A_51, %add3A_57 : i32
      %lt3A = arith.constant 125 : i32
      %lt3A_59 = arith.cmpi slt, %add3A_58, %lt3A : i32
      %convert_element_type3A = arith.extui %lt3A_59 : i1 to i32
      %cond3A = arith.constant 0 : i32
      %cond3A_60 = arith.cmpi ne, %convert_element_type3A, %cond3A : i32
      scf.if %cond3A_60 {
        %add3A_129 = arith.constant 5 : i32
        %add3A_130 = arith.addi %add3A_51, %add3A_129 : i32
        %dma_start3A_131 = arith.constant 0 : i32
        %dma_start3A_132 = tpu.memref_slice %arg7[%add3A_130, %dma_start3A_131] : memref<125x80xi32, #tpu.memory_space<vmem>> -> memref<1x80xi32, #tpu.memory_space<vmem>>
        %dma_start3A_133 = tpu.memref_squeeze %dma_start3A_132 : memref<1x80xi32, #tpu.memory_space<vmem>> -> memref<80xi32, #tpu.memory_space<vmem>>
        %dma_start3A_134 = arith.constant 0 : i32
        %dma_start3A_135 = arith.constant 0 : i32
        %dma_start3A_136 = tpu.memref_slice %arg2[%dma_start3A_134, %dma_start3A_135] : memref<10000x32xf32, #tpu.memory_space<hbm>> -> memref<10000x32xf32, #tpu.memory_space<hbm>>
        tpu.enqueue_indirect_dma source(%dma_start3A_136 : memref<10000x32xf32, #tpu.memory_space<hbm>>) target(%arg9 : memref<80x32xf32, #tpu.memory_space<vmem>>) offsets(%dma_start3A_133 : memref<80xi32, #tpu.memory_space<vmem>>) semaphore(%arg15 : memref<!tpu.dma_semaphore, #tpu.memory_space<semaphore_mem>>)
      } else {
      }
      %mul3A_61 = arith.constant 5 : i32
      %mul3A_62 = arith.muli %scan3A_47, %mul3A_61 : i32
      %add3A_63 = arith.constant 1 : i32
      %add3A_64 = arith.addi %mul3A_62, %add3A_63 : i32
      %dma_wait3A_65 = arith.constant 0 : i32
      %dma_wait3A_66 = tpu.memref_slice %arg7[%add3A_64, %dma_wait3A_65] : memref<125x80xi32, #tpu.memory_space<vmem>> -> memref<1x80xi32, #tpu.memory_space<vmem>>
      %dma_wait3A_67 = tpu.memref_squeeze %dma_wait3A_66 : memref<1x80xi32, #tpu.memory_space<vmem>> -> memref<80xi32, #tpu.memory_space<vmem>>
      %dma_wait3A_68 = arith.constant 0 : i32
      %dma_wait3A_69 = arith.constant 0 : i32
      %dma_wait3A_70 = tpu.memref_slice %arg2[%dma_wait3A_68, %dma_wait3A_69] : memref<10000x32xf32, #tpu.memory_space<hbm>> -> memref<10000x32xf32, #tpu.memory_space<hbm>>
      tpu.wait_indirect_dma semaphore(%arg16 : memref<!tpu.dma_semaphore, #tpu.memory_space<semaphore_mem>>) src(%dma_wait3A_70 : memref<10000x32xf32, #tpu.memory_space<hbm>>) dst(%arg10 : memref<80x32xf32, #tpu.memory_space<vmem>>)
      "tpu.region"() ({
        %run_scoped3A = tpu.sem_alloc : memref<!tpu.dma_semaphore, #tpu.memory_space<semaphore_mem>>
        %dma_start3A_129 = arith.constant 0 : i32
        %dma_start3A_130 = tpu.memref_slice %arg8[%add3A_64, %dma_start3A_129] : memref<125x80xi32, #tpu.memory_space<vmem>> -> memref<1x80xi32, #tpu.memory_space<vmem>>
        %dma_start3A_131 = tpu.memref_squeeze %dma_start3A_130 : memref<1x80xi32, #tpu.memory_space<vmem>> -> memref<80xi32, #tpu.memory_space<vmem>>
        %dma_start3A_132 = arith.constant 0 : i32
        %dma_start3A_133 = arith.constant 0 : i32
        %dma_start3A_134 = tpu.memref_slice %arg14[%dma_start3A_132, %dma_start3A_133] : memref<10240x32xf32, #tpu.memory_space<vmem_shared>> -> memref<10240x32xf32, #tpu.memory_space<vmem_shared>>
        tpu.enqueue_indirect_dma source(%arg10 : memref<80x32xf32, #tpu.memory_space<vmem>>) target(%dma_start3A_134 : memref<10240x32xf32, #tpu.memory_space<vmem_shared>>) offsets(%dma_start3A_131 : memref<80xi32, #tpu.memory_space<vmem>>) semaphore(%run_scoped3A : memref<!tpu.dma_semaphore, #tpu.memory_space<semaphore_mem>>) {add = true}
        %dma_wait3A_135 = arith.constant 0 : i32
        %dma_wait3A_136 = tpu.memref_slice %arg8[%add3A_64, %dma_wait3A_135] : memref<125x80xi32, #tpu.memory_space<vmem>> -> memref<1x80xi32, #tpu.memory_space<vmem>>
        %dma_wait3A_137 = tpu.memref_squeeze %dma_wait3A_136 : memref<1x80xi32, #tpu.memory_space<vmem>> -> memref<80xi32, #tpu.memory_space<vmem>>
        %dma_wait3A_138 = arith.constant 0 : i32
        %dma_wait3A_139 = arith.constant 0 : i32
        %dma_wait3A_140 = tpu.memref_slice %arg14[%dma_wait3A_138, %dma_wait3A_139] : memref<10240x32xf32, #tpu.memory_space<vmem_shared>> -> memref<10240x32xf32, #tpu.memory_space<vmem_shared>>
        tpu.wait_indirect_dma semaphore(%run_scoped3A : memref<!tpu.dma_semaphore, #tpu.memory_space<semaphore_mem>>) src(%arg10 : memref<80x32xf32, #tpu.memory_space<vmem>>) dst(%dma_wait3A_140 : memref<10240x32xf32, #tpu.memory_space<vmem_shared>>)
        tpu.yield
      }) : () -> ()
      %add3A_71 = arith.constant 5 : i32
      %add3A_72 = arith.addi %add3A_64, %add3A_71 : i32
      %lt3A_73 = arith.constant 125 : i32
      %lt3A_74 = arith.cmpi slt, %add3A_72, %lt3A_73 : i32
      %convert_element_type3A_75 = arith.extui %lt3A_74 : i1 to i32
      %cond3A_76 = arith.constant 0 : i32
      %cond3A_77 = arith.cmpi ne, %convert_element_type3A_75, %cond3A_76 : i32
      scf.if %cond3A_77 {
        %add3A_129 = arith.constant 5 : i32
        %add3A_130 = arith.addi %add3A_64, %add3A_129 : i32
        %dma_start3A_131 = arith.constant 0 : i32
        %dma_start3A_132 = tpu.memref_slice %arg7[%add3A_130, %dma_start3A_131] : memref<125x80xi32, #tpu.memory_space<vmem>> -> memref<1x80xi32, #tpu.memory_space<vmem>>
        %dma_start3A_133 = tpu.memref_squeeze %dma_start3A_132 : memref<1x80xi32, #tpu.memory_space<vmem>> -> memref<80xi32, #tpu.memory_space<vmem>>
        %dma_start3A_134 = arith.constant 0 : i32
        %dma_start3A_135 = arith.constant 0 : i32
        %dma_start3A_136 = tpu.memref_slice %arg2[%dma_start3A_134, %dma_start3A_135] : memref<10000x32xf32, #tpu.memory_space<hbm>> -> memref<10000x32xf32, #tpu.memory_space<hbm>>
        tpu.enqueue_indirect_dma source(%dma_start3A_136 : memref<10000x32xf32, #tpu.memory_space<hbm>>) target(%arg10 : memref<80x32xf32, #tpu.memory_space<vmem>>) offsets(%dma_start3A_133 : memref<80xi32, #tpu.memory_space<vmem>>) semaphore(%arg16 : memref<!tpu.dma_semaphore, #tpu.memory_space<semaphore_mem>>)
      } else {
      }
      %mul3A_78 = arith.constant 5 : i32
      %mul3A_79 = arith.muli %scan3A_47, %mul3A_78 : i32
      %add3A_80 = arith.constant 2 : i32
      %add3A_81 = arith.addi %mul3A_79, %add3A_80 : i32
      %dma_wait3A_82 = arith.constant 0 : i32
      %dma_wait3A_83 = tpu.memref_slice %arg7[%add3A_81, %dma_wait3A_82] : memref<125x80xi32, #tpu.memory_space<vmem>> -> memref<1x80xi32, #tpu.memory_space<vmem>>
      %dma_wait3A_84 = tpu.memref_squeeze %dma_wait3A_83 : memref<1x80xi32, #tpu.memory_space<vmem>> -> memref<80xi32, #tpu.memory_space<vmem>>
      %dma_wait3A_85 = arith.constant 0 : i32
      %dma_wait3A_86 = arith.constant 0 : i32
      %dma_wait3A_87 = tpu.memref_slice %arg2[%dma_wait3A_85, %dma_wait3A_86] : memref<10000x32xf32, #tpu.memory_space<hbm>> -> memref<10000x32xf32, #tpu.memory_space<hbm>>
      tpu.wait_indirect_dma semaphore(%arg17 : memref<!tpu.dma_semaphore, #tpu.memory_space<semaphore_mem>>) src(%dma_wait3A_87 : memref<10000x32xf32, #tpu.memory_space<hbm>>) dst(%arg11 : memref<80x32xf32, #tpu.memory_space<vmem>>)
      "tpu.region"() ({
        %run_scoped3A = tpu.sem_alloc : memref<!tpu.dma_semaphore, #tpu.memory_space<semaphore_mem>>
        %dma_start3A_129 = arith.constant 0 : i32
        %dma_start3A_130 = tpu.memref_slice %arg8[%add3A_81, %dma_start3A_129] : memref<125x80xi32, #tpu.memory_space<vmem>> -> memref<1x80xi32, #tpu.memory_space<vmem>>
        %dma_start3A_131 = tpu.memref_squeeze %dma_start3A_130 : memref<1x80xi32, #tpu.memory_space<vmem>> -> memref<80xi32, #tpu.memory_space<vmem>>
        %dma_start3A_132 = arith.constant 0 : i32
        %dma_start3A_133 = arith.constant 0 : i32
        %dma_start3A_134 = tpu.memref_slice %arg14[%dma_start3A_132, %dma_start3A_133] : memref<10240x32xf32, #tpu.memory_space<vmem_shared>> -> memref<10240x32xf32, #tpu.memory_space<vmem_shared>>
        tpu.enqueue_indirect_dma source(%arg11 : memref<80x32xf32, #tpu.memory_space<vmem>>) target(%dma_start3A_134 : memref<10240x32xf32, #tpu.memory_space<vmem_shared>>) offsets(%dma_start3A_131 : memref<80xi32, #tpu.memory_space<vmem>>) semaphore(%run_scoped3A : memref<!tpu.dma_semaphore, #tpu.memory_space<semaphore_mem>>) {add = true}
        %dma_wait3A_135 = arith.constant 0 : i32
        %dma_wait3A_136 = tpu.memref_slice %arg8[%add3A_81, %dma_wait3A_135] : memref<125x80xi32, #tpu.memory_space<vmem>> -> memref<1x80xi32, #tpu.memory_space<vmem>>
        %dma_wait3A_137 = tpu.memref_squeeze %dma_wait3A_136 : memref<1x80xi32, #tpu.memory_space<vmem>> -> memref<80xi32, #tpu.memory_space<vmem>>
        %dma_wait3A_138 = arith.constant 0 : i32
        %dma_wait3A_139 = arith.constant 0 : i32
        %dma_wait3A_140 = tpu.memref_slice %arg14[%dma_wait3A_138, %dma_wait3A_139] : memref<10240x32xf32, #tpu.memory_space<vmem_shared>> -> memref<10240x32xf32, #tpu.memory_space<vmem_shared>>
        tpu.wait_indirect_dma semaphore(%run_scoped3A : memref<!tpu.dma_semaphore, #tpu.memory_space<semaphore_mem>>) src(%arg11 : memref<80x32xf32, #tpu.memory_space<vmem>>) dst(%dma_wait3A_140 : memref<10240x32xf32, #tpu.memory_space<vmem_shared>>)
        tpu.yield
      }) : () -> ()
      %add3A_88 = arith.constant 5 : i32
      %add3A_89 = arith.addi %add3A_81, %add3A_88 : i32
      %lt3A_90 = arith.constant 125 : i32
      %lt3A_91 = arith.cmpi slt, %add3A_89, %lt3A_90 : i32
      %convert_element_type3A_92 = arith.extui %lt3A_91 : i1 to i32
      %cond3A_93 = arith.constant 0 : i32
      %cond3A_94 = arith.cmpi ne, %convert_element_type3A_92, %cond3A_93 : i32
      scf.if %cond3A_94 {
        %add3A_129 = arith.constant 5 : i32
        %add3A_130 = arith.addi %add3A_81, %add3A_129 : i32
        %dma_start3A_131 = arith.constant 0 : i32
        %dma_start3A_132 = tpu.memref_slice %arg7[%add3A_130, %dma_start3A_131] : memref<125x80xi32, #tpu.memory_space<vmem>> -> memref<1x80xi32, #tpu.memory_space<vmem>>
        %dma_start3A_133 = tpu.memref_squeeze %dma_start3A_132 : memref<1x80xi32, #tpu.memory_space<vmem>> -> memref<80xi32, #tpu.memory_space<vmem>>
        %dma_start3A_134 = arith.constant 0 : i32
        %dma_start3A_135 = arith.constant 0 : i32
        %dma_start3A_136 = tpu.memref_slice %arg2[%dma_start3A_134, %dma_start3A_135] : memref<10000x32xf32, #tpu.memory_space<hbm>> -> memref<10000x32xf32, #tpu.memory_space<hbm>>
        tpu.enqueue_indirect_dma source(%dma_start3A_136 : memref<10000x32xf32, #tpu.memory_space<hbm>>) target(%arg11 : memref<80x32xf32, #tpu.memory_space<vmem>>) offsets(%dma_start3A_133 : memref<80xi32, #tpu.memory_space<vmem>>) semaphore(%arg17 : memref<!tpu.dma_semaphore, #tpu.memory_space<semaphore_mem>>)
      } else {
      }
      %mul3A_95 = arith.constant 5 : i32
      %mul3A_96 = arith.muli %scan3A_47, %mul3A_95 : i32
      %add3A_97 = arith.constant 3 : i32
      %add3A_98 = arith.addi %mul3A_96, %add3A_97 : i32
      %dma_wait3A_99 = arith.constant 0 : i32
      %dma_wait3A_100 = tpu.memref_slice %arg7[%add3A_98, %dma_wait3A_99] : memref<125x80xi32, #tpu.memory_space<vmem>> -> memref<1x80xi32, #tpu.memory_space<vmem>>
      %dma_wait3A_101 = tpu.memref_squeeze %dma_wait3A_100 : memref<1x80xi32, #tpu.memory_space<vmem>> -> memref<80xi32, #tpu.memory_space<vmem>>
      %dma_wait3A_102 = arith.constant 0 : i32
      %dma_wait3A_103 = arith.constant 0 : i32
      %dma_wait3A_104 = tpu.memref_slice %arg2[%dma_wait3A_102, %dma_wait3A_103] : memref<10000x32xf32, #tpu.memory_space<hbm>> -> memref<10000x32xf32, #tpu.memory_space<hbm>>
      tpu.wait_indirect_dma semaphore(%arg18 : memref<!tpu.dma_semaphore, #tpu.memory_space<semaphore_mem>>) src(%dma_wait3A_104 : memref<10000x32xf32, #tpu.memory_space<hbm>>) dst(%arg12 : memref<80x32xf32, #tpu.memory_space<vmem>>)
      "tpu.region"() ({
        %run_scoped3A = tpu.sem_alloc : memref<!tpu.dma_semaphore, #tpu.memory_space<semaphore_mem>>
        %dma_start3A_129 = arith.constant 0 : i32
        %dma_start3A_130 = tpu.memref_slice %arg8[%add3A_98, %dma_start3A_129] : memref<125x80xi32, #tpu.memory_space<vmem>> -> memref<1x80xi32, #tpu.memory_space<vmem>>
        %dma_start3A_131 = tpu.memref_squeeze %dma_start3A_130 : memref<1x80xi32, #tpu.memory_space<vmem>> -> memref<80xi32, #tpu.memory_space<vmem>>
        %dma_start3A_132 = arith.constant 0 : i32
        %dma_start3A_133 = arith.constant 0 : i32
        %dma_start3A_134 = tpu.memref_slice %arg14[%dma_start3A_132, %dma_start3A_133] : memref<10240x32xf32, #tpu.memory_space<vmem_shared>> -> memref<10240x32xf32, #tpu.memory_space<vmem_shared>>
        tpu.enqueue_indirect_dma source(%arg12 : memref<80x32xf32, #tpu.memory_space<vmem>>) target(%dma_start3A_134 : memref<10240x32xf32, #tpu.memory_space<vmem_shared>>) offsets(%dma_start3A_131 : memref<80xi32, #tpu.memory_space<vmem>>) semaphore(%run_scoped3A : memref<!tpu.dma_semaphore, #tpu.memory_space<semaphore_mem>>) {add = true}
        %dma_wait3A_135 = arith.constant 0 : i32
        %dma_wait3A_136 = tpu.memref_slice %arg8[%add3A_98, %dma_wait3A_135] : memref<125x80xi32, #tpu.memory_space<vmem>> -> memref<1x80xi32, #tpu.memory_space<vmem>>
        %dma_wait3A_137 = tpu.memref_squeeze %dma_wait3A_136 : memref<1x80xi32, #tpu.memory_space<vmem>> -> memref<80xi32, #tpu.memory_space<vmem>>
        %dma_wait3A_138 = arith.constant 0 : i32
        %dma_wait3A_139 = arith.constant 0 : i32
        %dma_wait3A_140 = tpu.memref_slice %arg14[%dma_wait3A_138, %dma_wait3A_139] : memref<10240x32xf32, #tpu.memory_space<vmem_shared>> -> memref<10240x32xf32, #tpu.memory_space<vmem_shared>>
        tpu.wait_indirect_dma semaphore(%run_scoped3A : memref<!tpu.dma_semaphore, #tpu.memory_space<semaphore_mem>>) src(%arg12 : memref<80x32xf32, #tpu.memory_space<vmem>>) dst(%dma_wait3A_140 : memref<10240x32xf32, #tpu.memory_space<vmem_shared>>)
        tpu.yield
      }) : () -> ()
      %add3A_105 = arith.constant 5 : i32
      %add3A_106 = arith.addi %add3A_98, %add3A_105 : i32
      %lt3A_107 = arith.constant 125 : i32
      %lt3A_108 = arith.cmpi slt, %add3A_106, %lt3A_107 : i32
      %convert_element_type3A_109 = arith.extui %lt3A_108 : i1 to i32
      %cond3A_110 = arith.constant 0 : i32
      %cond3A_111 = arith.cmpi ne, %convert_element_type3A_109, %cond3A_110 : i32
      scf.if %cond3A_111 {
        %add3A_129 = arith.constant 5 : i32
        %add3A_130 = arith.addi %add3A_98, %add3A_129 : i32
        %dma_start3A_131 = arith.constant 0 : i32
        %dma_start3A_132 = tpu.memref_slice %arg7[%add3A_130, %dma_start3A_131] : memref<125x80xi32, #tpu.memory_space<vmem>> -> memref<1x80xi32, #tpu.memory_space<vmem>>
        %dma_start3A_133 = tpu.memref_squeeze %dma_start3A_132 : memref<1x80xi32, #tpu.memory_space<vmem>> -> memref<80xi32, #tpu.memory_space<vmem>>
        %dma_start3A_134 = arith.constant 0 : i32
        %dma_start3A_135 = arith.constant 0 : i32
        %dma_start3A_136 = tpu.memref_slice %arg2[%dma_start3A_134, %dma_start3A_135] : memref<10000x32xf32, #tpu.memory_space<hbm>> -> memref<10000x32xf32, #tpu.memory_space<hbm>>
        tpu.enqueue_indirect_dma source(%dma_start3A_136 : memref<10000x32xf32, #tpu.memory_space<hbm>>) target(%arg12 : memref<80x32xf32, #tpu.memory_space<vmem>>) offsets(%dma_start3A_133 : memref<80xi32, #tpu.memory_space<vmem>>) semaphore(%arg18 : memref<!tpu.dma_semaphore, #tpu.memory_space<semaphore_mem>>)
      } else {
      }
      %mul3A_112 = arith.constant 5 : i32
      %mul3A_113 = arith.muli %scan3A_47, %mul3A_112 : i32
      %add3A_114 = arith.constant 4 : i32
      %add3A_115 = arith.addi %mul3A_113, %add3A_114 : i32
      %dma_wait3A_116 = arith.constant 0 : i32
      %dma_wait3A_117 = tpu.memref_slice %arg7[%add3A_115, %dma_wait3A_116] : memref<125x80xi32, #tpu.memory_space<vmem>> -> memref<1x80xi32, #tpu.memory_space<vmem>>
      %dma_wait3A_118 = tpu.memref_squeeze %dma_wait3A_117 : memref<1x80xi32, #tpu.memory_space<vmem>> -> memref<80xi32, #tpu.memory_space<vmem>>
      %dma_wait3A_119 = arith.constant 0 : i32
      %dma_wait3A_120 = arith.constant 0 : i32
      %dma_wait3A_121 = tpu.memref_slice %arg2[%dma_wait3A_119, %dma_wait3A_120] : memref<10000x32xf32, #tpu.memory_space<hbm>> -> memref<10000x32xf32, #tpu.memory_space<hbm>>
      tpu.wait_indirect_dma semaphore(%arg19 : memref<!tpu.dma_semaphore, #tpu.memory_space<semaphore_mem>>) src(%dma_wait3A_121 : memref<10000x32xf32, #tpu.memory_space<hbm>>) dst(%arg13 : memref<80x32xf32, #tpu.memory_space<vmem>>)
      "tpu.region"() ({
        %run_scoped3A = tpu.sem_alloc : memref<!tpu.dma_semaphore, #tpu.memory_space<semaphore_mem>>
        %dma_start3A_129 = arith.constant 0 : i32
        %dma_start3A_130 = tpu.memref_slice %arg8[%add3A_115, %dma_start3A_129] : memref<125x80xi32, #tpu.memory_space<vmem>> -> memref<1x80xi32, #tpu.memory_space<vmem>>
        %dma_start3A_131 = tpu.memref_squeeze %dma_start3A_130 : memref<1x80xi32, #tpu.memory_space<vmem>> -> memref<80xi32, #tpu.memory_space<vmem>>
        %dma_start3A_132 = arith.constant 0 : i32
        %dma_start3A_133 = arith.constant 0 : i32
        %dma_start3A_134 = tpu.memref_slice %arg14[%dma_start3A_132, %dma_start3A_133] : memref<10240x32xf32, #tpu.memory_space<vmem_shared>> -> memref<10240x32xf32, #tpu.memory_space<vmem_shared>>
        tpu.enqueue_indirect_dma source(%arg13 : memref<80x32xf32, #tpu.memory_space<vmem>>) target(%dma_start3A_134 : memref<10240x32xf32, #tpu.memory_space<vmem_shared>>) offsets(%dma_start3A_131 : memref<80xi32, #tpu.memory_space<vmem>>) semaphore(%run_scoped3A : memref<!tpu.dma_semaphore, #tpu.memory_space<semaphore_mem>>) {add = true}
        %dma_wait3A_135 = arith.constant 0 : i32
        %dma_wait3A_136 = tpu.memref_slice %arg8[%add3A_115, %dma_wait3A_135] : memref<125x80xi32, #tpu.memory_space<vmem>> -> memref<1x80xi32, #tpu.memory_space<vmem>>
        %dma_wait3A_137 = tpu.memref_squeeze %dma_wait3A_136 : memref<1x80xi32, #tpu.memory_space<vmem>> -> memref<80xi32, #tpu.memory_space<vmem>>
        %dma_wait3A_138 = arith.constant 0 : i32
        %dma_wait3A_139 = arith.constant 0 : i32
        %dma_wait3A_140 = tpu.memref_slice %arg14[%dma_wait3A_138, %dma_wait3A_139] : memref<10240x32xf32, #tpu.memory_space<vmem_shared>> -> memref<10240x32xf32, #tpu.memory_space<vmem_shared>>
        tpu.wait_indirect_dma semaphore(%run_scoped3A : memref<!tpu.dma_semaphore, #tpu.memory_space<semaphore_mem>>) src(%arg13 : memref<80x32xf32, #tpu.memory_space<vmem>>) dst(%dma_wait3A_140 : memref<10240x32xf32, #tpu.memory_space<vmem_shared>>)
        tpu.yield
      }) : () -> ()
      %add3A_122 = arith.constant 5 : i32
      %add3A_123 = arith.addi %add3A_115, %add3A_122 : i32
      %lt3A_124 = arith.constant 125 : i32
      %lt3A_125 = arith.cmpi slt, %add3A_123, %lt3A_124 : i32
      %convert_element_type3A_126 = arith.extui %lt3A_125 : i1 to i32
      %cond3A_127 = arith.constant 0 : i32
      %cond3A_128 = arith.cmpi ne, %convert_element_type3A_126, %cond3A_127 : i32
      scf.if %cond3A_128 {
        %add3A_129 = arith.constant 5 : i32
        %add3A_130 = arith.addi %add3A_115, %add3A_129 : i32
        %dma_start3A_131 = arith.constant 0 : i32
        %dma_start3A_132 = tpu.memref_slice %arg7[%add3A_130, %dma_start3A_131] : memref<125x80xi32, #tpu.memory_space<vmem>> -> memref<1x80xi32, #tpu.memory_space<vmem>>
        %dma_start3A_133 = tpu.memref_squeeze %dma_start3A_132 : memref<1x80xi32, #tpu.memory_space<vmem>> -> memref<80xi32, #tpu.memory_space<vmem>>
        %dma_start3A_134 = arith.constant 0 : i32
        %dma_start3A_135 = arith.constant 0 : i32
        %dma_start3A_136 = tpu.memref_slice %arg2[%dma_start3A_134, %dma_start3A_135] : memref<10000x32xf32, #tpu.memory_space<hbm>> -> memref<10000x32xf32, #tpu.memory_space<hbm>>
        tpu.enqueue_indirect_dma source(%dma_start3A_136 : memref<10000x32xf32, #tpu.memory_space<hbm>>) target(%arg13 : memref<80x32xf32, #tpu.memory_space<vmem>>) offsets(%dma_start3A_133 : memref<80xi32, #tpu.memory_space<vmem>>) semaphore(%arg19 : memref<!tpu.dma_semaphore, #tpu.memory_space<semaphore_mem>>)
      } else {
      }
    }
    %scan3A_45 = arith.constant 25 : i32
    %barrier3A_46 = arith.constant 0 : index
    tpu.barrier barrier_id(%barrier3A_46)
    "tpu.region"() ({
      %run_scoped3A = tpu.sem_alloc : memref<!tpu.dma_semaphore, #tpu.memory_space<semaphore_mem>>
      %dma_start3A_47 = arith.constant 0 : i32
      %dma_start3A_48 = tpu.memref_slice %arg6[%arg0, %mul3A_2, %dma_start3A_47] : memref<2x10240x32xf32, #tpu.memory_space<hbm>> -> memref<1x640x32xf32, #tpu.memory_space<hbm>>
      %dma_start3A_49 = tpu.memref_squeeze %dma_start3A_48 : memref<1x640x32xf32, #tpu.memory_space<hbm>> -> memref<640x32xf32, #tpu.memory_space<hbm>>
      %dma_start3A_50 = arith.constant 0 : i32
      %dma_start3A_51 = tpu.memref_slice %arg14[%mul3A_2, %dma_start3A_50] : memref<10240x32xf32, #tpu.memory_space<vmem_shared>> -> memref<640x32xf32, #tpu.memory_space<vmem_shared>>
      tpu.enqueue_dma source(%dma_start3A_51 : memref<640x32xf32, #tpu.memory_space<vmem_shared>>) target(%dma_start3A_49 : memref<640x32xf32, #tpu.memory_space<hbm>>) target_semaphore(%run_scoped3A : memref<!tpu.dma_semaphore, #tpu.memory_space<semaphore_mem>>)
      %dma_wait3A = arith.constant 0 : i32
      %dma_wait3A_52 = tpu.memref_slice %arg6[%arg0, %mul3A_2, %dma_wait3A] : memref<2x10240x32xf32, #tpu.memory_space<hbm>> -> memref<1x640x32xf32, #tpu.memory_space<hbm>>
      %dma_wait3A_53 = tpu.memref_squeeze %dma_wait3A_52 : memref<1x640x32xf32, #tpu.memory_space<hbm>> -> memref<640x32xf32, #tpu.memory_space<hbm>>
      %dma_wait3A_54 = arith.constant 0 : i32
      %dma_wait3A_55 = tpu.memref_slice %arg14[%mul3A_2, %dma_wait3A_54] : memref<10240x32xf32, #tpu.memory_space<vmem_shared>> -> memref<640x32xf32, #tpu.memory_space<vmem_shared>>
      tpu.wait_dma2 semaphore(%run_scoped3A : memref<!tpu.dma_semaphore, #tpu.memory_space<semaphore_mem>>) src(%dma_wait3A_55 : memref<640x32xf32, #tpu.memory_space<vmem_shared>>) dst(%dma_wait3A_53 : memref<640x32xf32, #tpu.memory_space<hbm>>)
      tpu.yield
    }) : () -> ()
    return
  }
}

module attributes {stable_mosaic.version = 14 : i64} {
  func.func @_mm1_body(%arg0: i32, %arg1: memref<1000x128xf32, #tpu.memory_space<vmem>>, %arg2: memref<128x128xf32, #tpu.memory_space<vmem>>, %arg3: memref<1x64xf32, #tpu.memory_space<vmem>>, %arg4: memref<1000x80xf32, #tpu.memory_space<vmem>>, %arg5: memref<1000x64xf32, #tpu.memory_space<vmem>>) attributes {dimension_semantics = [#tpu.dimension_semantics<arbitrary>], iteration_bounds = array<i64: 10>, scalar_prefetch = 0 : i64, scratch_operands = 0 : i64, tpu.core_type = #tpu.core_type<tc>, window_params = [{transform_indices = @transform_0, window_bounds = array<i64: 1000, 128>}, {pipeline_mode = #tpu.pipeline_mode<synchronous>, transform_indices = @transform_1, window_bounds = array<i64: 128, 128>}, {pipeline_mode = #tpu.pipeline_mode<synchronous>, transform_indices = @transform_2, window_bounds = array<i64: 1, 64>}, {transform_indices = @transform_3, window_bounds = array<i64: 1000, 80>}, {transform_indices = @transform_4, window_bounds = array<i64: 1000, 64>}]} {
    %get3A = arith.constant 0 : index
    %get3A_0 = arith.constant 0 : index
    %get3A_1 = vector.load %arg1[%get3A, %get3A_0] : memref<1000x128xf32, #tpu.memory_space<vmem>>, vector<1000x128xf32>
    %get3A_2 = arith.constant 0 : index
    %get3A_3 = arith.constant 0 : index
    %get3A_4 = vector.load %arg2[%get3A_2, %get3A_3] : memref<128x128xf32, #tpu.memory_space<vmem>>, vector<128x128xf32>
    %dot_general3A = arith.constant dense<0.000000e+00> : vector<1000x128xf32>
    %dot_general3A_5 = tpu.matmul %get3A_1, %get3A_4, %dot_general3A {dimension_numbers = #tpu.dot_dimension_numbers<[1], [0], [0], [1], [0, 0, 1, 1], [], []>, transpose_lhs_hint = false} : vector<1000x128xf32>, vector<128x128xf32>, vector<1000x128xf32> -> vector<1000x128xf32>
    %broadcast_in_dim3A = arith.constant 1.000000e+00 : f32
    %broadcast_in_dim3A_6 = vector.broadcast %broadcast_in_dim3A : f32 to vector<1000x16xf32>
    %slice3A = vector.extract_strided_slice %dot_general3A_5 {offsets = [0, 0], sizes = [1000, 64], strides = [1, 1]} : vector<1000x128xf32> to vector<1000x64xf32>
    %concatenate3A = tpu.concatenate %slice3A, %broadcast_in_dim3A_6 in 1 : vector<1000x64xf32>, vector<1000x16xf32> -> vector<1000x80xf32>
    %swap3A = arith.constant 0 : index
    %swap3A_7 = arith.constant 0 : index
    %swap3A_8 = vector.load %arg4[%swap3A, %swap3A_7] : memref<1000x80xf32, #tpu.memory_space<vmem>>, vector<1000x80xf32>
    tpu.vector_store %arg4[%swap3A, %swap3A_7], %concatenate3A {strides = array<i32>} : memref<1000x80xf32, #tpu.memory_space<vmem>>, vector<1000x80xf32>,
    %slice3A_9 = vector.extract_strided_slice %dot_general3A_5 {offsets = [0, 64], sizes = [1000, 64], strides = [1, 1]} : vector<1000x128xf32> to vector<1000x64xf32>
    %get3A_10 = arith.constant 0 : index
    %get3A_11 = arith.constant 0 : index
    %get3A_12 = vector.load %arg3[%get3A_10, %get3A_11] : memref<1x64xf32, #tpu.memory_space<vmem>>, vector<1x64xf32>
    %add3A = vector.broadcast %get3A_12 : vector<1x64xf32> to vector<1000x64xf32>
    %add3A_13 = arith.addf %slice3A_9, %add3A : vector<1000x64xf32>
    %swap3A_14 = arith.constant 0 : index
    %swap3A_15 = arith.constant 0 : index
    %swap3A_16 = vector.load %arg5[%swap3A_14, %swap3A_15] : memref<1000x64xf32, #tpu.memory_space<vmem>>, vector<1000x64xf32>
    tpu.vector_store %arg5[%swap3A_14, %swap3A_15], %add3A_13 {strides = array<i32>} : memref<1000x64xf32, #tpu.memory_space<vmem>>, vector<1000x64xf32>,
    return
  }
  func.func @transform_0(%arg0: i32) -> (i32, i32) {
    %c0_i32 = arith.constant 0 : i32
    %c0_i32_0 = arith.constant 0 : i32
    return %arg0, %c0_i32 : i32, i32
  }
  func.func @transform_1(%arg0: i32) -> (i32, i32) {
    %c0_i32 = arith.constant 0 : i32
    %c0_i32_0 = arith.constant 0 : i32
    %c0_i32_1 = arith.constant 0 : i32
    return %c0_i32, %c0_i32_0 : i32, i32
  }
  func.func @transform_2(%arg0: i32) -> (i32, i32) {
    %c0_i32 = arith.constant 0 : i32
    %c0_i32_0 = arith.constant 0 : i32
    %c0_i32_1 = arith.constant 0 : i32
    return %c0_i32, %c0_i32_0 : i32, i32
  }
  func.func @transform_3(%arg0: i32) -> (i32, i32) {
    %c0_i32 = arith.constant 0 : i32
    %c0_i32_0 = arith.constant 0 : i32
    return %arg0, %c0_i32 : i32, i32
  }
  func.func @transform_4(%arg0: i32) -> (i32, i32) {
    %c0_i32 = arith.constant 0 : i32
    %c0_i32_0 = arith.constant 0 : i32
    return %arg0, %c0_i32 : i32, i32
  }
}

module attributes {stable_mosaic.version = 14 : i64} {
  func.func @_mm2_body(%arg0: i32, %arg1: memref<2x1000x80xf32, #tpu.memory_space<vmem>>, %arg2: memref<1000x64xf32, #tpu.memory_space<vmem>>, %arg3: memref<64x64xf32, #tpu.memory_space<vmem>>, %arg4: memref<1x32xf32, #tpu.memory_space<vmem>>, %arg5: memref<1000x32xf32, #tpu.memory_space<vmem>>, %arg6: memref<1000x48xf32, #tpu.memory_space<vmem>>) attributes {dimension_semantics = [#tpu.dimension_semantics<arbitrary>], iteration_bounds = array<i64: 10>, scalar_prefetch = 0 : i64, scratch_operands = 0 : i64, tpu.core_type = #tpu.core_type<tc>, window_params = [{transform_indices = @transform_0, window_bounds = array<i64: 2, 1000, 80>}, {transform_indices = @transform_1, window_bounds = array<i64: 1000, 64>}, {pipeline_mode = #tpu.pipeline_mode<synchronous>, transform_indices = @transform_2, window_bounds = array<i64: 64, 64>}, {pipeline_mode = #tpu.pipeline_mode<synchronous>, transform_indices = @transform_3, window_bounds = array<i64: 1, 32>}, {transform_indices = @transform_4, window_bounds = array<i64: 1000, 32>}, {transform_indices = @transform_5, window_bounds = array<i64: 1000, 48>}]} {
    %get3A = arith.constant 0 : index
    %get3A_0 = arith.constant 0 : index
    %get3A_1 = arith.constant 0 : index
    %get3A_2 = vector.load %arg1[%get3A, %get3A_0, %get3A_1] : memref<2x1000x80xf32, #tpu.memory_space<vmem>>, vector<1x1000x80xf32>
    %get3A_3 = vector.shape_cast %get3A_2 : vector<1x1000x80xf32> to vector<1000x80xf32>
    %get3A_4 = arith.constant 1 : index
    %get3A_5 = arith.constant 0 : index
    %get3A_6 = arith.constant 0 : index
    %get3A_7 = vector.load %arg1[%get3A_4, %get3A_5, %get3A_6] : memref<2x1000x80xf32, #tpu.memory_space<vmem>>, vector<1x1000x80xf32>
    %get3A_8 = vector.shape_cast %get3A_7 : vector<1x1000x80xf32> to vector<1000x80xf32>
    %add3A = arith.addf %get3A_3, %get3A_8 : vector<1000x80xf32>
    %slice3A = vector.extract_strided_slice %add3A {offsets = [0, 64], sizes = [1000, 1], strides = [1, 1]} : vector<1000x80xf32> to vector<1000x1xf32>
    %max3A = arith.constant 1.000000e+00 : f32
    %max3A_9 = vector.broadcast %max3A : f32 to vector<1000x1xf32>
    %max3A_10 = arith.maximumf %slice3A, %max3A_9 : vector<1000x1xf32>
    %div3A = arith.constant 1.000000e+00 : f32
    %div3A_11 = vector.broadcast %div3A : f32 to vector<1000x1xf32>
    %div3A_12 = arith.divf %div3A_11, %max3A_10 : vector<1000x1xf32>
    %slice3A_13 = vector.extract_strided_slice %add3A {offsets = [0, 0], sizes = [1000, 64], strides = [1, 1]} : vector<1000x80xf32> to vector<1000x64xf32>
    %mul3A = vector.broadcast %div3A_12 : vector<1000x1xf32> to vector<1000x64xf32>
    %mul3A_14 = arith.mulf %slice3A_13, %mul3A : vector<1000x64xf32>
    %get3A_15 = arith.constant 0 : index
    %get3A_16 = arith.constant 0 : index
    %get3A_17 = vector.load %arg2[%get3A_15, %get3A_16] : memref<1000x64xf32, #tpu.memory_space<vmem>>, vector<1000x64xf32>
    %add3A_18 = arith.addf %mul3A_14, %get3A_17 : vector<1000x64xf32>
    %max3A_19 = arith.constant 0.000000e+00 : f32
    %max3A_20 = vector.broadcast %max3A_19 : f32 to vector<1000x64xf32>
    %max3A_21 = arith.maximumf %add3A_18, %max3A_20 : vector<1000x64xf32>
    %get3A_22 = arith.constant 0 : index
    %get3A_23 = arith.constant 0 : index
    %get3A_24 = vector.load %arg3[%get3A_22, %get3A_23] : memref<64x64xf32, #tpu.memory_space<vmem>>, vector<64x64xf32>
    %dot_general3A = arith.constant dense<0.000000e+00> : vector<1000x64xf32>
    %dot_general3A_25 = tpu.matmul %max3A_21, %get3A_24, %dot_general3A {dimension_numbers = #tpu.dot_dimension_numbers<[1], [0], [0], [1], [0, 0, 1, 1], [], []>, transpose_lhs_hint = false} : vector<1000x64xf32>, vector<64x64xf32>, vector<1000x64xf32> -> vector<1000x64xf32>
    %slice3A_26 = vector.extract_strided_slice %dot_general3A_25 {offsets = [0, 0], sizes = [1000, 32], strides = [1, 1]} : vector<1000x64xf32> to vector<1000x32xf32>
    %swap3A = arith.constant 0 : index
    %swap3A_27 = arith.constant 0 : index
    %swap3A_28 = vector.load %arg5[%swap3A, %swap3A_27] : memref<1000x32xf32, #tpu.memory_space<vmem>>, vector<1000x32xf32>
    tpu.vector_store %arg5[%swap3A, %swap3A_27], %slice3A_26 {strides = array<i32>} : memref<1000x32xf32, #tpu.memory_space<vmem>>, vector<1000x32xf32>,
    %slice3A_29 = vector.extract_strided_slice %dot_general3A_25 {offsets = [0, 32], sizes = [1000, 32], strides = [1, 1]} : vector<1000x64xf32> to vector<1000x32xf32>
    %get3A_30 = arith.constant 0 : index
    %get3A_31 = arith.constant 0 : index
    %get3A_32 = vector.load %arg4[%get3A_30, %get3A_31] : memref<1x32xf32, #tpu.memory_space<vmem>>, vector<1x32xf32>
    %add3A_33 = vector.broadcast %get3A_32 : vector<1x32xf32> to vector<1000x32xf32>
    %add3A_34 = arith.addf %slice3A_29, %add3A_33 : vector<1000x32xf32>
    %broadcast_in_dim3A = vector.shape_cast %div3A_12 : vector<1000x1xf32> to vector<1000x1xf32>
    %broadcast_in_dim3A_35 = vector.broadcast %broadcast_in_dim3A : vector<1000x1xf32> to vector<1000x16xf32>
    %concatenate3A = tpu.concatenate %add3A_34, %broadcast_in_dim3A_35 in 1 : vector<1000x32xf32>, vector<1000x16xf32> -> vector<1000x48xf32>
    %swap3A_36 = arith.constant 0 : index
    %swap3A_37 = arith.constant 0 : index
    %swap3A_38 = vector.load %arg6[%swap3A_36, %swap3A_37] : memref<1000x48xf32, #tpu.memory_space<vmem>>, vector<1000x48xf32>
    tpu.vector_store %arg6[%swap3A_36, %swap3A_37], %concatenate3A {strides = array<i32>} : memref<1000x48xf32, #tpu.memory_space<vmem>>, vector<1000x48xf32>,
    return
  }
  func.func @transform_0(%arg0: i32) -> (i32, i32, i32) {
    %c0_i32 = arith.constant 0 : i32
    %c0_i32_0 = arith.constant 0 : i32
    %c0_i32_1 = arith.constant 0 : i32
    return %c0_i32, %arg0, %c0_i32_0 : i32, i32, i32
  }
  func.func @transform_1(%arg0: i32) -> (i32, i32) {
    %c0_i32 = arith.constant 0 : i32
    %c0_i32_0 = arith.constant 0 : i32
    return %arg0, %c0_i32 : i32, i32
  }
  func.func @transform_2(%arg0: i32) -> (i32, i32) {
    %c0_i32 = arith.constant 0 : i32
    %c0_i32_0 = arith.constant 0 : i32
    %c0_i32_1 = arith.constant 0 : i32
    return %c0_i32, %c0_i32_0 : i32, i32
  }
  func.func @transform_3(%arg0: i32) -> (i32, i32) {
    %c0_i32 = arith.constant 0 : i32
    %c0_i32_0 = arith.constant 0 : i32
    %c0_i32_1 = arith.constant 0 : i32
    return %c0_i32, %c0_i32_0 : i32, i32
  }
  func.func @transform_4(%arg0: i32) -> (i32, i32) {
    %c0_i32 = arith.constant 0 : i32
    %c0_i32_0 = arith.constant 0 : i32
    return %arg0, %c0_i32 : i32, i32
  }
  func.func @transform_5(%arg0: i32) -> (i32, i32) {
    %c0_i32 = arith.constant 0 : i32
    %c0_i32_0 = arith.constant 0 : i32
    return %arg0, %c0_i32 : i32, i32
  }
}

module attributes {stable_mosaic.version = 14 : i64} {
  func.func @_comb_body(%arg0: i32, %arg1: memref<2x1000x32xf32, #tpu.memory_space<vmem>>, %arg2: memref<1000x48xf32, #tpu.memory_space<vmem>>, %arg3: memref<1000x32xf32, #tpu.memory_space<vmem>>) attributes {dimension_semantics = [#tpu.dimension_semantics<arbitrary>], iteration_bounds = array<i64: 10>, scalar_prefetch = 0 : i64, scratch_operands = 0 : i64, tpu.core_type = #tpu.core_type<tc>, window_params = [{transform_indices = @transform_0, window_bounds = array<i64: 2, 1000, 32>}, {transform_indices = @transform_1, window_bounds = array<i64: 1000, 48>}, {transform_indices = @transform_2, window_bounds = array<i64: 1000, 32>}]} {
    %get3A = arith.constant 0 : index
    %get3A_0 = arith.constant 0 : index
    %get3A_1 = arith.constant 0 : index
    %get3A_2 = vector.load %arg1[%get3A, %get3A_0, %get3A_1] : memref<2x1000x32xf32, #tpu.memory_space<vmem>>, vector<1x1000x32xf32>
    %get3A_3 = vector.shape_cast %get3A_2 : vector<1x1000x32xf32> to vector<1000x32xf32>
    %get3A_4 = arith.constant 1 : index
    %get3A_5 = arith.constant 0 : index
    %get3A_6 = arith.constant 0 : index
    %get3A_7 = vector.load %arg1[%get3A_4, %get3A_5, %get3A_6] : memref<2x1000x32xf32, #tpu.memory_space<vmem>>, vector<1x1000x32xf32>
    %get3A_8 = vector.shape_cast %get3A_7 : vector<1x1000x32xf32> to vector<1000x32xf32>
    %add3A = arith.addf %get3A_3, %get3A_8 : vector<1000x32xf32>
    %get3A_9 = arith.constant 0 : index
    %get3A_10 = arith.constant 32 : index
    %get3A_11 = vector.load %arg2[%get3A_9, %get3A_10] : memref<1000x48xf32, #tpu.memory_space<vmem>>, vector<1000x1xf32>
    %mul3A = vector.broadcast %get3A_11 : vector<1000x1xf32> to vector<1000x32xf32>
    %mul3A_12 = arith.mulf %add3A, %mul3A : vector<1000x32xf32>
    %get3A_13 = arith.constant 0 : index
    %get3A_14 = arith.constant 0 : index
    %get3A_15 = vector.load %arg2[%get3A_13, %get3A_14] : memref<1000x48xf32, #tpu.memory_space<vmem>>, vector<1000x32xf32>
    %add3A_16 = arith.addf %mul3A_12, %get3A_15 : vector<1000x32xf32>
    %swap3A = arith.constant 0 : index
    %swap3A_17 = arith.constant 0 : index
    %swap3A_18 = vector.load %arg3[%swap3A, %swap3A_17] : memref<1000x32xf32, #tpu.memory_space<vmem>>, vector<1000x32xf32>
    tpu.vector_store %arg3[%swap3A, %swap3A_17], %add3A_16 {strides = array<i32>} : memref<1000x32xf32, #tpu.memory_space<vmem>>, vector<1000x32xf32>,
    return
  }
  func.func @transform_0(%arg0: i32) -> (i32, i32, i32) {
    %c0_i32 = arith.constant 0 : i32
    %c0_i32_0 = arith.constant 0 : i32
    %c0_i32_1 = arith.constant 0 : i32
    return %c0_i32, %arg0, %c0_i32_0 : i32, i32, i32
  }
  func.func @transform_1(%arg0: i32) -> (i32, i32) {
    %c0_i32 = arith.constant 0 : i32
    %c0_i32_0 = arith.constant 0 : i32
    return %arg0, %c0_i32 : i32, i32
  }
  func.func @transform_2(%arg0: i32) -> (i32, i32) {
    %c0_i32 = arith.constant 0 : i32
    %c0_i32_0 = arith.constant 0 : i32
    return %arg0, %c0_i32 : i32, i32
  }
}

</mosaic_0001>

<sc_bundles>
// kernel: kernel.10.cloned.1.call-start
scs
__scs_entry_jumppad:
0x0: {  	(pc) =	sbr.rel $0x88, $3  }
0x1: {  	(tag) =	ssettag $0x0;
	lr =	simm.s32 $0x1  }
0x2: {  	[smem:$0x3F99] =	sst lr;
	_ =	strace $0xD0000000  }
0x3: {  	_ = 	snop  }
0x4: {  	_ = 	snop  }
0x5: {  	_ = 	snop  }
0x6: {  	_ = 	snop  }
0x7: {  	_ = 	snop  }
__scs_overlays_trampoline_lowered:
0x8: {  	[smem:$0x3FA8] =	sst s0  }
0x9: {  	[smem:$0x3FA9] =	sst s1  }
0xa: {  	[smem:$0x3FAA] =	sst s2  }
0xb: {  	[smem:$0x3FAB] =	sst s3  }
0xc: {  	[smem:$0x3FAC] =	sst s4  }
0xd: {  	[smem:$0x3FAD] =	sst s5  }
0xe: {  	[smem:$0x3FAE] =	sst s6  }
0xf: {  	[smem:$0x3FAF] =	sst s7  }
0x10: {  	[smem:$0x3FB0] =	sst s8  }
0x11: {  	[smem:$0x3FB1] =	sst s9;
	s0 =	simm.s32 @!p0 $0x0  }
0x12: {  	s1 =	sld [smem:$0x3F97];
	s0 =	simm.s32 @p0 $0x1  }
0x13: {  	[smem:$0x3FB2] =	sst s0;
	s0 =	simm.s32 @!p1 $0x0  }
0x14: {  	s2 =	sld [smem:$0x3F96];
	s0 =	simm.s32 @p1 $0x1  }
0x15: {  	[smem:$0x3FB3] =	sst s0;
	s0 =	simm.s32 @!p2 $0x0  }
0x16: {  	s3 =	sld [smem:$0x3FDB];
	s0 =	simm.s32 @p2 $0x1  }
0x17: {  	s4 =	simm.s32 $0x1BF5;
	[smem:$0x3FB5] =	sst s0  }
0x18: {  	s0 =	sld [smem:$0x3F98];
	_ =	swait.ge [sflag:s4], $0x0  }
0x19: {  	s7 =	sld [smem:$0x3F99]  }
0x1a: {  	s8 =	sadd.s32 $0xFFFFE003, lr  }
0x1b: {  	s9 =	sadd.s32 $0xFFFFFEF7, lr;
	s5 =	simm.s32 $0xFFFFFFFF;
	p2 =	slt.u32 s8, $0xFFFFF086  }
0x1c: {  	p1 =	slt.u32 s9, $0xF7A;
	s5 =	simm.s32 @!p2 $0x0  }
0x1d: {  	s5 =	simm.s32 @p1 $0x1;
	p0 =	seq.s32 s7, s2  }
0x1e: {  	s7 =	smul.u32 @!p0 $0xF7A, s2;
	p2 =	seq.s32 @!p0 s5, $0x0  }
0x1f: {  	s9 =	smul.u32 $0xF7A, s1;
	s8 =	simm.s32 @!p0 $0x1BF5;
	p2 =	por !p2, p0  }
0x20: {  	[sflag:s8] =	ssyncset.s32 @!p0 $0xFFFFF086;
	s6 =	sadd.s32 @!p0 s3, s7;
	s7 =	simm.s32 @!p0 $0x108  }
0x21: {  	s3 =	sadd.s32 s3, s9;
	s6 =	sadd.s32 @!p0 $0x88, s6;
	s7 =	simm.s32 @p2 $0x1082  }
0x22: {  	[simem:s7], [sflag:s8] =	dma.local @!p0 [hbm:s6], $0xF7A  }
0x23: {  	s9 =	sor.u32 $0xD0000000, s2;
	s6 =	simm.s32 $0x108;
	_ =	swait.ge @!p0 [sflag:s8], $0x0  }
0x24: {  	s3 =	sadd.s32 $0x88, s3;
	s6 =	simm.s32 @!p1 $0x1082;
	[sflag:s4] =	ssyncset.s32 $0xFFFFF086  }
0x25: {  	[simem:s6], [sflag:s4] =	dma.local [hbm:s3], $0xF7A  }
0x26: {  	[smem:$0x3F99] =	sst s1;
	(tag) =	ssettag s2;
	_ =	strace s9  }
0x27: {  	s1 =	sld [smem:$0x3FA9]  }
0x28: {  	s2 =	sld [smem:$0x3FAA]  }
0x29: {  	s4 =	sld [smem:$0x3FAC]  }
0x2a: {  	p0 =	seq.s32 s5, $0x0;
	s5 =	sld [smem:$0x3FAD]  }
0x2b: {  	s6 =	sld [smem:$0x3FAE]  }
0x2c: {  	s7 =	sld [smem:$0x3FAF]  }
0x2d: {  	s3 =	simm.s32 $0x108;
	s8 =	sld [smem:$0x3FB0]  }
0x2e: {  	s3 =	simm.s32 @!p0 $0x1082;
	s9 =	sld [smem:$0x3FB1]  }
0x2f: {  	lr =	sadd.s32 s0, s3;
	s0 =	sld [smem:$0x3FA8]  }
0x30: {  	s3 =	sld [smem:$0x3FAB]  }
0x31: {  	[smem:$0x3FB4] =	sst s10  }
0x32: {  	s10 =	sld [smem:$0x3FB2];
	_ =	sdelay $0x3  }
0x33: {  	p0 =	seq.s32 s10, $0x1;
	s10 =	sld [smem:$0x3FB4];
	_ =	sdelay $0x3  }
0x34: {  	[smem:$0x3FB4] =	sst s10  }
0x35: {  	s10 =	sld [smem:$0x3FB3];
	_ =	sdelay $0x3  }
0x36: {  	p1 =	seq.s32 s10, $0x1;
	s10 =	sld [smem:$0x3FB4];
	_ =	sdelay $0x3  }
0x37: {  	[smem:$0x3FB4] =	sst s10  }
0x38: {  	s10 =	sld [smem:$0x3FB5]  }
0x39: {  	_ = 	snop;
	(pc) =	sbr.ind lr, $3  }
0x3a: {  	_ = 	snop  }
0x3b: {  	_ = 	snop  }
0x3c: {  	p2 =	seq.s32 s10, $0x1;
	s10 =	sld [smem:$0x3FB4]  }
0x3d: {  	_ =	shalt  }
0x3e: {  	_ =	shalt  }
0x3f: {  	_ =	shalt  }
0x40: {  	_ =	shalt  }
0x41: {  	_ =	shalt  }
0x42: {  	_ =	shalt  }
0x43: {  	_ =	shalt  }
0x44: {  	_ =	shalt  }
0x45: {  	_ =	shalt  }
0x46: {  	_ =	shalt  }
0x47: {  	_ =	shalt  }
0x48: {  	_ =	shalt  }
0x49: {  	_ =	shalt  }
0x4a: {  	_ =	shalt  }
0x4b: {  	_ =	shalt  }
0x4c: {  	_ =	shalt  }
0x4d: {  	_ =	shalt  }
0x4e: {  	_ =	shalt  }
0x4f: {  	_ =	shalt  }
0x50: {  	_ =	shalt  }
0x51: {  	_ =	shalt  }
0x52: {  	_ =	shalt  }
0x53: {  	_ =	shalt  }
0x54: {  	_ =	shalt  }
0x55: {  	_ =	shalt  }
0x56: {  	_ =	shalt  }
0x57: {  	_ =	shalt  }
0x58: {  	_ =	shalt  }
0x59: {  	_ =	shalt  }
0x5a: {  	_ =	shalt  }
0x5b: {  	_ =	shalt  }
0x5c: {  	_ =	shalt  }
0x5d: {  	_ =	shalt  }
0x5e: {  	_ =	shalt  }
0x5f: {  	_ =	shalt  }
0x60: {  	_ =	shalt  }
0x61: {  	_ =	shalt  }
0x62: {  	_ =	shalt  }
0x63: {  	_ =	shalt  }
0x64: {  	_ =	shalt  }
0x65: {  	_ =	shalt  }
0x66: {  	_ =	shalt  }
0x67: {  	_ =	shalt  }
0x68: {  	_ =	shalt  }
0x69: {  	_ =	shalt  }
0x6a: {  	_ =	shalt  }
0x6b: {  	_ =	shalt  }
0x6c: {  	_ =	shalt  }
0x6d: {  	_ =	shalt  }
0x6e: {  	_ =	shalt  }
0x6f: {  	_ =	shalt  }
0x70: {  	_ =	shalt  }
0x71: {  	_ =	shalt  }
0x72: {  	_ =	shalt  }
0x73: {  	_ =	shalt  }
0x74: {  	_ =	shalt  }
0x75: {  	_ =	shalt  }
0x76: {  	_ =	shalt  }
0x77: {  	_ =	shalt  }
0x78: {  	_ =	shalt  }
0x79: {  	_ =	shalt  }
0x7a: {  	_ =	shalt  }
0x7b: {  	_ =	shalt  }
0x7c: {  	_ =	shalt  }
0x7d: {  	_ =	shalt  }
0x7e: {  	_ =	shalt  }
0x7f: {  	_ =	shalt  }
0x80: {  	_ =	shalt  }
0x81: {  	_ =	shalt  }
0x82: {  	_ =	shalt  }
0x83: {  	_ =	shalt  }
0x84: {  	_ =	shalt  }
0x85: {  	_ =	shalt  }
0x86: {  	_ =	shalt  }
0x87: {  	_ =	shalt  }
.Lfunc_end0:
.L_simem_size_0:
called_computation.1_lowered:
.L_overlay_start_0:
0x88: {  	s2 =	sld [smem:$0x3FD9]  }
0x89: {  	s3 =	sld [smem:$0x3FFE];
	_ =	sdelay $0x1  }
0x8a: {  	s1 =	srdreg.scid  }
0x8b: {  	s0 =	sand.u32 $0x1, s1  }
0x8c: {  	s17 =	sshll.u32 s0, $0xA;
	s2 =	sadd.s32 s3, s2  }
0x8d: {  	s2 =	sadd.s32 s2, s17  }
0x8e: {  	[smem:$0x3FC0] =	sst s2  }
0x8f: {  	_ = 	snop  }
0x90: {  	s2 =	sld [smem:$0x3FD0];
	(tm) =	ssettm $0x1  }
0x91: {  	s18 =	sld [smem:$0x3FFB];
	_ =	sdelay $0x3  }
0x92: {  	_ =	strace s18  }
0x93: {  	s3 =	sld [smem:$0x3FFC];
	_ =	sdelay $0x3  }
0x94: {  	_ =	strace s3  }
0x95: {  	s3 =	sld [smem:$0x3FFD];
	_ =	sdelay $0x3  }
0x96: {  	_ =	strace s3  }
0x97: {  	_ =	strace $0x8FFFFFFF  }
0x98: {  	s19 =	sld [smem:$0x3FDB];
	_ =	sdelay $0x1  }
0x99: {  	s4 =	simm.s32 $_scs_section_size  }
0x9a: {  	s5 =	simm.s32 $_size__tile_overlayer_lowered;
	s6 =	simm.s32 $_tile_overlayer_lowered  }
0x9b: {  	s22 =	simm.s32 $0x1BFF;
	s21 =	sshll.u32 s6, $0x1;
	s3 =	sadd.s32 s4, s19  }
0x9c: {  	s7 =	simm.s32 $0x0;
	s20 =	sshll.u32 s5, $0x1;
	s5 =	sadd.s32 s21, s3  }
0x9d: {  	[timem:s7], [sflag:s22] =	dma.local [hbm:s5], s20  }
0x9e: {  	_ =	swait.ge [sflag:s22], s20  }
0x9f: {  	s4 =	ssub.s32 $0x0, s20;
	[sflag:s22] =	ssyncset.done $0x0  }
0xa0: {  	[sflag:s22] =	ssyncadd.s32 s4;
	_ =	sdelay $0x1  }
0xa1: {  	s23 =	simm.s32 $0x1B8B  }
0xa2: {  	_ =	swait.ge [sflag:s23], $0x1  }
0xa3: {  	[sflag:s23] =	ssyncset.done $0x0  }
0xa4: {  	s25 =	simm.s32 $0x1B8E;
	s24 =	sld [smem:$0x3FFE];
	[sflag:s23] =	ssyncadd.s32 $0xFFFFFFFF  }
0xa5: {  	s26 =	simm.s32 $execute0_lowered;
	[smem:$0x3FD2] =	sst s25  }
0xa6: {  	s5 =	sshll.u32 s26, $0x1;
	_ =	strace $0x80000049;
	[dreg:$0x1] =	wrdreg $0xFFFFFFFF  }
0xa7: {  	s28 =	simm.s32 $_size_execute0_lowered;
	s3 =	sadd.s32 s3, s5;
	[dreg:$0x0] =	wrdreg $0x0  }
0xa8: {  	s5 =	sshll.u32 s28, $0x1;
	[dreg:$0x2] =	wrdreg s3  }
0xa9: {  	[dreg:$0x3] =	wrdreg s5  }
0xaa: {  	[dreg:$0x4] =	wrdreg $0xC0  }
0xab: {  	_ =	task [dreg:s7], $0x5FFFF  }
0xac: {  	[dreg:$0x1] =	wrdreg $0xFFFFFFFF  }
0xad: {  	[dreg:$0x0] =	wrdreg $0x60  }
0xae: {  	[dreg:$0x2] =	wrdreg s24  }
0xaf: {  	[dreg:$0x3] =	wrdreg s2  }
0xb0: {  	[dreg:$0x4] =	wrdreg $0x80200  }
0xb1: {  	[dreg:$0x5] =	wrdreg $0x9  }
0xb2: {  	_ =	task.clear_ibuf [dreg:s7], $0x6FFFF;
	_ =	strace $0x90000049  }
0xb3: {  	s29 =	simm.s32 $0x9;
	_ =	strace $0x8000004B  }
0xb4: {  	_ =	swait.ge [sflag:s29], $0x1  }
0xb5: {  	[sflag:s29] =	ssyncadd.s32 $0xFFFFFFFF  }
0xb6: {  	_ =	strace $0x9000004B  }
0xb7: {  	_ =	sfence  }
0xb8: {  	s30 =	sld [smem:$0x0];
	_ =	sdelay $0x2  }
0xb9: {  	s31 =	sshll.u32 s1, $0xD;
	s1 =	sshrl.u32 s1, $0x2  }
0xba: {  	s3 =	sand.u32 $0x4000, s31;
	s1 =	sadd.s32 s1, s30  }
0xbb: {  	s0 =	sor.u32 s3, s0;
	s1 =	sshll.u32 s1, $0x11  }
0xbc: {  	s0 =	sor.u32 s1, s0  }
0xbd: {  	s0 =	sadd.s32 $0x8F2B, s0  }
0xbe: {  	[sflag:s0] =	ssyncadd.remote.s32 $0x1  }
0xbf: {  	_ =	sfence.sel $0xFFFF  }
0xc0: {  	[dreg:$0x0] =	wrdreg $0xFFFFFFFF;
	(pc) =	sbr.abs _section_cstart, $3  }
0xc1: {  	[dreg:$0x1] =	wrdreg $0xFFFFFFFF  }
0xc2: {  	_ =	task.clear_ibuf [dreg:s7], $0x2FFFF;
	_ =	strace $0x9FFFFFFF  }
0xc3: {  	(tm) =	ssettm $0x7FFFFFFF  }
tec
execute0_lowered:
.L_overlay_start_1:
0x0: {  	(tag) =	ssettag $0x1  }
0x1: {  	s0 =	srdreg.scid  }
0x2: {  	s1 =	rddreg [dreg:$0x0];
	s12 =	stileid.u32  }
0x3: {  	s6 =	rddreg [dreg:$0x1];
	s14 =	simm.s32 $0x50;
	s15 =	simm.s32 $0x4E20  }
0x4: {  	s16 =	simm.s32 $0x5820;
	s18 =	simm.s32 $0x6220;
	s20 =	simm.s32 $0x6C20  }
0x5: {  	s22 =	simm.s32 $0x7620;
	s23 =	simm.s32 $0x1;
	s24 =	simm.s32 $0x2  }
0x6: {  	s28 =	simm.s32 $0x5;
	s29 =	simm.s32 $0x4C90;
	s30 =	simm.s32 $0x4CE0  }
0x7: {  	s31 =	simm.s32 $0x4D30;
	s0 =	sand.u32 $0x1, s0;
	s8 =	smul.u32 $0x5000, s12  }
0x8: {  	s4 =	sadd.s32 $0xB000, s1;
	s26 =	sshll.u32 s12, $0x6;
	s2 =	sshll.u32 s0, $0x4  }
0x9: {  	s5 =	smul.u32 $0x50000, s0;
	s0 =	ssub.s32 $0x2, s0;
	s3 =	sor.u32 s12, s2  }
0xa: {  	s2 =	rddreg [dreg:$0x2];
	s10 =	sshrl.u32 s8, $0x3;
	s11 =	sshrl.u32 s0, $0x1  }
0xb: {  	s12 =	sor.u32 $0x1C06, s26;
	s26 =	simm.s32 $0x4;
	s7 =	smul.u32 $0x4E2, s3  }
0xc: {  	s3 =	simm.s32 $0x0;
	s5 =	sadd.s32 s8, s5;
	s10 =	sadd.s32 s10, s1  }
0xd: {  	s0 =	ssub.s32 s0, s11;
	s25 =	sadd.s32 s8, s2;
	s11 =	simm.s32 $0x0  }
0xe: {  	[smem:$0x7FF] =	sst s3;
	s5 =	sshrl.u32 s5, $0x3;
	s13 =	sshrl.u32 s25, $0x3  }
0xf: {  	s25 =	simm.s32 $0x3;
	_ =	strace $0x8000004A;
	s9 =	sadd.s32 s7, s1  }
0x10: {  	s1 =	sadd.s32 s5, s1;
	s6 =	sadd.s32 s6, s7;
	s7 =	sadd.s32 $0x14E00, s10  }
0x11: {  	s10 =	simm.s32 $0x6;
	s5 =	sadd.s32 $0x1200, s9;
	s8 =	sadd.s32 $0x1EE00, s1  }
0x12: {  	s9 =	smax.u32 s0, $0x1;
	s1 =	simm.s32 $0x4D80;
	s0 =	simm.s32 $0x4DD0  }
.LBB2_1:
0x13: {  	[tilespmem:s3], [sflag:$0x6] =	stream.linear.gather [hbm4b:s5+s3], $0x2710, $0x38;
	[tilespmem:$0xD020] =	vst v63  }
0x14: {  	_ =	swait.ge [sflag:s10], $0x2710  }
0x15: {  	[sflag:s10] =	ssyncset.done $0x0  }
0x16: {  	s17 =	simm.s32 $0x2710;
	[sflag:s10] =	ssyncadd.s32 $0xFFFFD8F0  }
0x17: {  	[tilespmem:s17], [sflag:$0x6] =	stream.linear.gather [hbm4b:s6+s3], $0x2710, $0x38;
	[tilespmem:$0xD020] =	vst v63  }
0x18: {  	_ =	swait.ge [sflag:s10], $0x2710  }
0x19: {  	[sflag:s10] =	ssyncset.done $0x0  }
0x1a: {  	[sflag:s10] =	ssyncadd.s32 $0xFFFFD8F0  }
0x1b: {  	[spmem:s13], [sflag:s12] =	dma.local [hbm:s7], $0xA00  }
0x1c: {  	_ =	swait.ge [sflag:s10], $0xA00  }
0x1d: {  	[sflag:s10] =	ssyncset.done $0x0  }
0x1e: {  	[sflag:s10] =	ssyncadd.s32 $0xFFFFF600  }
0x1f: {  	[bflag:$0x0] =	sbarrier.arrive $0xFFFF  }
0x20: {  	[tilespmem:s15], [sflag:$0x1] =	stream.indirect.gather [hbm4b:s4+s14], $0x20, s3, s14, $0xb8;
	[tilespmem:$0xD020] =	vst v63  }
0x21: {  	_ = 	snop  }
0x22: {  	[tilespmem:s16], [sflag:$0x2] =	stream.indirect.gather [hbm4b:s4+s14], $0x20, s14, s14, $0xb8;
	[tilespmem:$0xD020] =	vst v63  }
0x23: {  	s19 =	simm.s32 $0xA0  }
0x24: {  	[tilespmem:s18], [sflag:$0x3] =	stream.indirect.gather [hbm4b:s4+s14], $0x20, s19, s14, $0xb8;
	[tilespmem:$0xD020] =	vst v63  }
0x25: {  	s21 =	simm.s32 $0xF0  }
0x26: {  	[tilespmem:s20], [sflag:$0x4] =	stream.indirect.gather [hbm4b:s4+s14], $0x20, s21, s14, $0xb8;
	[tilespmem:$0xD020] =	vst v63  }
0x27: {  	s19 =	simm.s32 $0x140  }
0x28: {  	[tilespmem:s22], [sflag:$0x5] =	stream.indirect.gather [hbm4b:s4+s14], $0x20, s19, s14, $0xb8;
	[tilespmem:$0xD020] =	vst v63  }
0x29: {  	_ =	swait.ge [sflag:s23], $0xA00  }
0x2a: {  	[sflag:s23] =	ssyncset.done $0x0  }
0x2b: {  	s21 =	simm.s32 $0x2710;
	[sflag:s23] =	ssyncadd.s32 $0xFFFFF600  }
0x2c: {  	[spmem:s2] =	stream.indirect.scatter.add.f32 [tilespmem:s15], [sflag:$0x6], $0x20, s21, s14, $0xb8;
	[tilespmem:$0xD020] =	vst v63  }
0x2d: {  	_ =	swait.ge [sflag:s10], $0xA00  }
0x2e: {  	[sflag:s10] =	ssyncset.done $0x0  }
0x2f: {  	s19 =	simm.s32 $0x190;
	[sflag:s10] =	ssyncadd.s32 $0xFFFFF600  }
0x30: {  	[tilespmem:s15], [sflag:$0x1] =	stream.indirect.gather [hbm4b:s4+s14], $0x20, s19, s14, $0xb8;
	[tilespmem:$0xD020] =	vst v63  }
0x31: {  	_ =	swait.ge [sflag:s24], $0xA00  }
0x32: {  	[sflag:s24] =	ssyncset.done $0x0  }
0x33: {  	s21 =	simm.s32 $0x2760;
	[sflag:s24] =	ssyncadd.s32 $0xFFFFF600  }
0x34: {  	[spmem:s2] =	stream.indirect.scatter.add.f32 [tilespmem:s16], [sflag:$0x6], $0x20, s21, s14, $0xb8;
	[tilespmem:$0xD020] =	vst v63  }
0x35: {  	_ =	swait.ge [sflag:s10], $0xA00  }
0x36: {  	[sflag:s10] =	ssyncset.done $0x0  }
0x37: {  	s19 =	simm.s32 $0x1E0;
	[sflag:s10] =	ssyncadd.s32 $0xFFFFF600  }
0x38: {  	[tilespmem:s16], [sflag:$0x2] =	stream.indirect.gather [hbm4b:s4+s14], $0x20, s19, s14, $0xb8;
	[tilespmem:$0xD020] =	vst v63  }
0x39: {  	_ =	swait.ge [sflag:s25], $0xA00  }
0x3a: {  	[sflag:s25] =	ssyncset.done $0x0  }
0x3b: {  	s21 =	simm.s32 $0x27B0;
	[sflag:s25] =	ssyncadd.s32 $0xFFFFF600  }
0x3c: {  	[spmem:s2] =	stream.indirect.scatter.add.f32 [tilespmem:s18], [sflag:$0x6], $0x20, s21, s14, $0xb8;
	[tilespmem:$0xD020] =	vst v63  }
0x3d: {  	_ =	swait.ge [sflag:s10], $0xA00  }
0x3e: {  	[sflag:s10] =	ssyncset.done $0x0  }
0x3f: {  	s19 =	simm.s32 $0x230;
	[sflag:s10] =	ssyncadd.s32 $0xFFFFF600  }
0x40: {  	[tilespmem:s18], [sflag:$0x3] =	stream.indirect.gather [hbm4b:s4+s14], $0x20, s19, s14, $0xb8;
	[tilespmem:$0xD020] =	vst v63  }
0x41: {  	_ =	swait.ge [sflag:s26], $0xA00  }
0x42: {  	[sflag:s26] =	ssyncset.done $0x0  }
0x43: {  	s21 =	simm.s32 $0x2800;
	[sflag:s26] =	ssyncadd.s32 $0xFFFFF600  }
0x44: {  	[spmem:s2] =	stream.indirect.scatter.add.f32 [tilespmem:s20], [sflag:$0x6], $0x20, s21, s14, $0xb8;
	[tilespmem:$0xD020] =	vst v63  }
0x45: {  	_ =	swait.ge [sflag:s10], $0xA00  }
0x46: {  	[sflag:s10] =	ssyncset.done $0x0  }
0x47: {  	s19 =	simm.s32 $0x280;
	[sflag:s10] =	ssyncadd.s32 $0xFFFFF600  }
0x48: {  	[tilespmem:s20], [sflag:$0x4] =	stream.indirect.gather [hbm4b:s4+s14], $0x20, s19, s14, $0xb8;
	[tilespmem:$0xD020] =	vst v63  }
0x49: {  	_ =	swait.ge [sflag:s28], $0xA00  }
0x4a: {  	[sflag:s28] =	ssyncset.done $0x0  }
0x4b: {  	s21 =	simm.s32 $0x2850;
	[sflag:s28] =	ssyncadd.s32 $0xFFFFF600  }
0x4c: {  	[spmem:s2] =	stream.indirect.scatter.add.f32 [tilespmem:s22], [sflag:$0x6], $0x20, s21, s14, $0xb8;
	[tilespmem:$0xD020] =	vst v63  }
0x4d: {  	_ =	swait.ge [sflag:s10], $0xA00  }
0x4e: {  	[sflag:s10] =	ssyncset.done $0x0  }
0x4f: {  	s17 =	simm.s32 $0x640;
	s19 =	simm.s32 $0x2D0;
	[sflag:s10] =	ssyncadd.s32 $0xFFFFF600  }
.LBB2_2:
0x50: {  	[tilespmem:s22], [sflag:$0x5] =	stream.indirect.gather [hbm4b:s4+s14], $0x20, s19, s14, $0xb8;
	[tilespmem:$0xD020] =	vst v63  }
0x51: {  	s19 =	smov.u32 s17  }
0x52: {  	p0 =	sne.s32 s17, $0x8FC0;
	s17 =	sadd.s32 $0x640, s17;
	_ =	swait.ge [sflag:s23], $0xA00  }
0x53: {  	s19 =	sshra.s32 s19, $0x2;
	[sflag:s23] =	ssyncset.done $0x0  }
0x54: {  	s21 =	sadd.s32 $0x2710, s19;
	[sflag:s23] =	ssyncadd.s32 $0xFFFFF600  }
0x55: {  	[spmem:s2] =	stream.indirect.scatter.add.f32 [tilespmem:s15], [sflag:$0x6], $0x20, s21, s14, $0xb8;
	[tilespmem:$0xD020] =	vst v63  }
0x56: {  	_ =	swait.ge [sflag:s10], $0xA00  }
0x57: {  	[sflag:s10] =	ssyncset.done $0x0  }
0x58: {  	s21 =	sadd.s32 $0x190, s19;
	[sflag:s10] =	ssyncadd.s32 $0xFFFFF600  }
0x59: {  	[tilespmem:s15], [sflag:$0x1] =	stream.indirect.gather [hbm4b:s4+s14], $0x20, s21, s14, $0xb8;
	[tilespmem:$0xD020] =	vst v63  }
0x5a: {  	_ =	swait.ge [sflag:s24], $0xA00  }
0x5b: {  	[sflag:s24] =	ssyncset.done $0x0  }
0x5c: {  	s21 =	sadd.s32 $0x2760, s19;
	[sflag:s24] =	ssyncadd.s32 $0xFFFFF600  }
0x5d: {  	[spmem:s2] =	stream.indirect.scatter.add.f32 [tilespmem:s16], [sflag:$0x6], $0x20, s21, s14, $0xb8;
	[tilespmem:$0xD020] =	vst v63  }
0x5e: {  	_ =	swait.ge [sflag:s10], $0xA00  }
0x5f: {  	[sflag:s10] =	ssyncset.done $0x0  }
0x60: {  	s21 =	sadd.s32 $0x1E0, s19;
	[sflag:s10] =	ssyncadd.s32 $0xFFFFF600  }
0x61: {  	[tilespmem:s16], [sflag:$0x2] =	stream.indirect.gather [hbm4b:s4+s14], $0x20, s21, s14, $0xb8;
	[tilespmem:$0xD020] =	vst v63  }
0x62: {  	_ =	swait.ge [sflag:s25], $0xA00  }
0x63: {  	[sflag:s25] =	ssyncset.done $0x0  }
0x64: {  	s21 =	sadd.s32 $0x27B0, s19;
	[sflag:s25] =	ssyncadd.s32 $0xFFFFF600  }
0x65: {  	[spmem:s2] =	stream.indirect.scatter.add.f32 [tilespmem:s18], [sflag:$0x6], $0x20, s21, s14, $0xb8;
	[tilespmem:$0xD020] =	vst v63  }
0x66: {  	_ =	swait.ge [sflag:s10], $0xA00  }
0x67: {  	[sflag:s10] =	ssyncset.done $0x0  }
0x68: {  	s21 =	sadd.s32 $0x230, s19;
	[sflag:s10] =	ssyncadd.s32 $0xFFFFF600  }
0x69: {  	[tilespmem:s18], [sflag:$0x3] =	stream.indirect.gather [hbm4b:s4+s14], $0x20, s21, s14, $0xb8;
	[tilespmem:$0xD020] =	vst v63  }
0x6a: {  	_ =	swait.ge [sflag:s26], $0xA00  }
0x6b: {  	[sflag:s26] =	ssyncset.done $0x0  }
0x6c: {  	s21 =	sadd.s32 $0x2800, s19;
	[sflag:s26] =	ssyncadd.s32 $0xFFFFF600  }
0x6d: {  	[spmem:s2] =	stream.indirect.scatter.add.f32 [tilespmem:s20], [sflag:$0x6], $0x20, s21, s14, $0xb8;
	[tilespmem:$0xD020] =	vst v63  }
0x6e: {  	_ =	swait.ge [sflag:s10], $0xA00  }
0x6f: {  	[sflag:s10] =	ssyncset.done $0x0  }
0x70: {  	s21 =	sadd.s32 $0x280, s19;
	[sflag:s10] =	ssyncadd.s32 $0xFFFFF600  }
0x71: {  	[tilespmem:s20], [sflag:$0x4] =	stream.indirect.gather [hbm4b:s4+s14], $0x20, s21, s14, $0xb8;
	[tilespmem:$0xD020] =	vst v63  }
0x72: {  	_ =	swait.ge [sflag:s28], $0xA00  }
0x73: {  	[sflag:s28] =	ssyncset.done $0x0  }
.Ltmp0:
0x74: {  	s21 =	sadd.s32 $0x2850, s19;
	[sflag:s28] =	ssyncadd.s32 $0xFFFFF600;
	(pc) =	sbr.rel @p0 .LBB2_2-.Ltmp0, $4  }
0x75: {  	[spmem:s2] =	stream.indirect.scatter.add.f32 [tilespmem:s22], [sflag:$0x6], $0x20, s21, s14, $0xb8;
	[tilespmem:$0xD020] =	vst v63  }
0x76: {  	_ =	swait.ge [sflag:s10], $0xA00  }
0x77: {  	[sflag:s10] =	ssyncset.done $0x0  }
0x78: {  	s19 =	sadd.s32 $0x2D0, s19;
	[sflag:s10] =	ssyncadd.s32 $0xFFFFF600  }
0x79: {  	[tilespmem:s22], [sflag:$0x5] =	stream.indirect.gather [hbm4b:s4+s14], $0x20, s19, s14, $0xb8;
	[tilespmem:$0xD020] =	vst v63  }
0x7a: {  	_ =	swait.ge [sflag:s23], $0xA00  }
0x7b: {  	[sflag:s23] =	ssyncset.done $0x0  }
0x7c: {  	[sflag:s23] =	ssyncadd.s32 $0xFFFFF600  }
0x7d: {  	[spmem:s2] =	stream.indirect.scatter.add.f32 [tilespmem:s15], [sflag:$0x6], $0x20, s29, s14, $0xb8;
	[tilespmem:$0xD020] =	vst v63  }
0x7e: {  	_ =	swait.ge [sflag:s10], $0xA00  }
0x7f: {  	[sflag:s10] =	ssyncset.done $0x0  }
0x80: {  	[sflag:s10] =	ssyncadd.s32 $0xFFFFF600  }
0x81: {  	_ =	swait.ge [sflag:s24], $0xA00  }
0x82: {  	[sflag:s24] =	ssyncset.done $0x0  }
0x83: {  	[sflag:s24] =	ssyncadd.s32 $0xFFFFF600  }
0x84: {  	[spmem:s2] =	stream.indirect.scatter.add.f32 [tilespmem:s16], [sflag:$0x6], $0x20, s30, s14, $0xb8;
	[tilespmem:$0xD020] =	vst v63  }
0x85: {  	_ =	swait.ge [sflag:s10], $0xA00  }
0x86: {  	[sflag:s10] =	ssyncset.done $0x0  }
0x87: {  	[sflag:s10] =	ssyncadd.s32 $0xFFFFF600  }
0x88: {  	_ =	swait.ge [sflag:s25], $0xA00  }
0x89: {  	[sflag:s25] =	ssyncset.done $0x0  }
0x8a: {  	[sflag:s25] =	ssyncadd.s32 $0xFFFFF600  }
0x8b: {  	[spmem:s2] =	stream.indirect.scatter.add.f32 [tilespmem:s18], [sflag:$0x6], $0x20, s31, s14, $0xb8;
	[tilespmem:$0xD020] =	vst v63  }
0x8c: {  	_ =	swait.ge [sflag:s10], $0xA00  }
0x8d: {  	[sflag:s10] =	ssyncset.done $0x0  }
0x8e: {  	[sflag:s10] =	ssyncadd.s32 $0xFFFFF600  }
0x8f: {  	_ =	swait.ge [sflag:s26], $0xA00  }
0x90: {  	[sflag:s26] =	ssyncset.done $0x0  }
0x91: {  	[sflag:s26] =	ssyncadd.s32 $0xFFFFF600  }
0x92: {  	[spmem:s2] =	stream.indirect.scatter.add.f32 [tilespmem:s20], [sflag:$0x6], $0x20, s1, s14, $0xb8;
	[tilespmem:$0xD020] =	vst v63  }
0x93: {  	_ =	swait.ge [sflag:s10], $0xA00  }
0x94: {  	[sflag:s10] =	ssyncset.done $0x0  }
0x95: {  	[sflag:s10] =	ssyncadd.s32 $0xFFFFF600  }
0x96: {  	_ =	swait.ge [sflag:s28], $0xA00  }
0x97: {  	[sflag:s28] =	ssyncset.done $0x0  }
0x98: {  	[sflag:s28] =	ssyncadd.s32 $0xFFFFF600  }
0x99: {  	[spmem:s2] =	stream.indirect.scatter.add.f32 [tilespmem:s22], [sflag:$0x6], $0x20, s0, s14, $0xb8;
	[tilespmem:$0xD020] =	vst v63  }
0x9a: {  	_ =	swait.ge [sflag:s10], $0xA00  }
0x9b: {  	s11 =	sadd.s32 $0x1, s11;
	[sflag:s10] =	ssyncset.done $0x0  }
0x9c: {  	p0 =	sne.s32 s11, s9;
	[sflag:s10] =	ssyncadd.s32 $0xFFFFF600  }
.Ltmp1:
0x9d: {  	[bflag:$0x0] =	sbarrier.arrive $0xFFFF;
	(pc) =	sbr.rel @p0 .LBB2_1-.Ltmp1, $4  }
0x9e: {  	[hbm:s8], [sflag:s12] =	dma.local [spmem:s13], $0xA00  }
0x9f: {  	_ =	swait.ge [sflag:s10], $0xA00  }
0xa0: {  	[sflag:s10] =	ssyncset.done $0x0  }
0xa1: {  	[sflag:s10] =	ssyncadd.s32 $0xFFFFF600  }
0xa2: {  	_ =	sfence.sel $0x180000  }
0xa3: {  	[bflag:$0x0] =	sbarrier.arrive $0xFFFF  }
0xa4: {  	_ =	strace $0x9000004A  }
0xa5: {  	s0 =	stileid.u32;
	[bflag:$0x2] =	sbarrier.arrive $0xFFFF  }
0xa6: {  	p0 =	sne.s32 s0, $0x0;
	s0 =	rddreg [dreg:$0x3]  }
0xa7: {  	s0 =	sadd.s32 @!p0 $0x100000, s0  }
0xa8: {  	[sflag:s0] =	ssyncadd.tile.s32 @!p0 $0x1;
	_ =	shalt  }
.Lfunc_end2:
_tile_overlayer_lowered:
.L_overlay_start_2:
0xa9: {  	(tag) =	ssettag $0x2  }
0xaa: {  	s0 =	rddreg [dreg:$0x0];
	s2 =	stileid.u32  }
0xab: {  	s1 =	rddreg [dreg:$0x1];
	p0 =	sne.s32 s2, $0x0  }
0xac: {  	s3 =	rddreg [dreg:$0x2];
	[bflag:$0x3] =	sbarrier.arrive $0xFFFF;
	s2 =	simm.s32 @!p0 $0x1C06  }
0xad: {  	[timem:s3], [sflag:s2] =	dma.local @!p0 [hbm:s0], s1  }
0xae: {  	s0 =	simm.s32 @!p0 $0x6  }
0xaf: {  	_ =	swait.ge @!p0 [sflag:s0], s1  }
0xb0: {  	s1 =	ssub.s32 @!p0 $0x0, s1;
	[sflag:s0] =	ssyncset.done @!p0 $0x0  }
0xb1: {  	[sflag:s0] =	ssyncadd.s32 @!p0 s1  }
0xb2: {  	[bflag:$0x3] =	sbarrier.arrive $0xFFFF  }
0xb3: {  	_ =	shalt  }

// kernel: kernel.7.cloned.1.call-start
scs
__scs_entry_jumppad:
0x0: {  	(pc) =	sbr.rel $0x88, $3  }
0x1: {  	(tag) =	ssettag $0x0;
	lr =	simm.s32 $0x1  }
0x2: {  	[smem:$0x3F99] =	sst lr;
	_ =	strace $0xD0000000  }
0x3: {  	_ = 	snop  }
0x4: {  	_ = 	snop  }
0x5: {  	_ = 	snop  }
0x6: {  	_ = 	snop  }
0x7: {  	_ = 	snop  }
__scs_overlays_trampoline_lowered:
0x8: {  	[smem:$0x3FA8] =	sst s0  }
0x9: {  	[smem:$0x3FA9] =	sst s1  }
0xa: {  	[smem:$0x3FAA] =	sst s2  }
0xb: {  	[smem:$0x3FAB] =	sst s3  }
0xc: {  	[smem:$0x3FAC] =	sst s4  }
0xd: {  	[smem:$0x3FAD] =	sst s5  }
0xe: {  	[smem:$0x3FAE] =	sst s6  }
0xf: {  	[smem:$0x3FAF] =	sst s7  }
0x10: {  	[smem:$0x3FB0] =	sst s8  }
0x11: {  	[smem:$0x3FB1] =	sst s9;
	s0 =	simm.s32 @!p0 $0x0  }
0x12: {  	s1 =	sld [smem:$0x3F97];
	s0 =	simm.s32 @p0 $0x1  }
0x13: {  	[smem:$0x3FB2] =	sst s0;
	s0 =	simm.s32 @!p1 $0x0  }
0x14: {  	s2 =	sld [smem:$0x3F96];
	s0 =	simm.s32 @p1 $0x1  }
0x15: {  	[smem:$0x3FB3] =	sst s0;
	s0 =	simm.s32 @!p2 $0x0  }
0x16: {  	s3 =	sld [smem:$0x3FDB];
	s0 =	simm.s32 @p2 $0x1  }
0x17: {  	s4 =	simm.s32 $0x1BF5;
	[smem:$0x3FB5] =	sst s0  }
0x18: {  	s0 =	sld [smem:$0x3F98];
	_ =	swait.ge [sflag:s4], $0x0  }
0x19: {  	s7 =	sld [smem:$0x3F99]  }
0x1a: {  	s8 =	sadd.s32 $0xFFFFE003, lr  }
0x1b: {  	s9 =	sadd.s32 $0xFFFFFEF7, lr;
	s5 =	simm.s32 $0xFFFFFFFF;
	p2 =	slt.u32 s8, $0xFFFFF086  }
0x1c: {  	p1 =	slt.u32 s9, $0xF7A;
	s5 =	simm.s32 @!p2 $0x0  }
0x1d: {  	s5 =	simm.s32 @p1 $0x1;
	p0 =	seq.s32 s7, s2  }
0x1e: {  	s7 =	smul.u32 @!p0 $0xF7A, s2;
	p2 =	seq.s32 @!p0 s5, $0x0  }
0x1f: {  	s9 =	smul.u32 $0xF7A, s1;
	s8 =	simm.s32 @!p0 $0x1BF5;
	p2 =	por !p2, p0  }
0x20: {  	[sflag:s8] =	ssyncset.s32 @!p0 $0xFFFFF086;
	s6 =	sadd.s32 @!p0 s3, s7;
	s7 =	simm.s32 @!p0 $0x108  }
0x21: {  	s3 =	sadd.s32 s3, s9;
	s6 =	sadd.s32 @!p0 $0x88, s6;
	s7 =	simm.s32 @p2 $0x1082  }
0x22: {  	[simem:s7], [sflag:s8] =	dma.local @!p0 [hbm:s6], $0xF7A  }
0x23: {  	s9 =	sor.u32 $0xD0000000, s2;
	s6 =	simm.s32 $0x108;
	_ =	swait.ge @!p0 [sflag:s8], $0x0  }
0x24: {  	s3 =	sadd.s32 $0x88, s3;
	s6 =	simm.s32 @!p1 $0x1082;
	[sflag:s4] =	ssyncset.s32 $0xFFFFF086  }
0x25: {  	[simem:s6], [sflag:s4] =	dma.local [hbm:s3], $0xF7A  }
0x26: {  	[smem:$0x3F99] =	sst s1;
	(tag) =	ssettag s2;
	_ =	strace s9  }
0x27: {  	s1 =	sld [smem:$0x3FA9]  }
0x28: {  	s2 =	sld [smem:$0x3FAA]  }
0x29: {  	s4 =	sld [smem:$0x3FAC]  }
0x2a: {  	p0 =	seq.s32 s5, $0x0;
	s5 =	sld [smem:$0x3FAD]  }
0x2b: {  	s6 =	sld [smem:$0x3FAE]  }
0x2c: {  	s7 =	sld [smem:$0x3FAF]  }
0x2d: {  	s3 =	simm.s32 $0x108;
	s8 =	sld [smem:$0x3FB0]  }
0x2e: {  	s3 =	simm.s32 @!p0 $0x1082;
	s9 =	sld [smem:$0x3FB1]  }
0x2f: {  	lr =	sadd.s32 s0, s3;
	s0 =	sld [smem:$0x3FA8]  }
0x30: {  	s3 =	sld [smem:$0x3FAB]  }
0x31: {  	[smem:$0x3FB4] =	sst s10  }
0x32: {  	s10 =	sld [smem:$0x3FB2];
	_ =	sdelay $0x3  }
0x33: {  	p0 =	seq.s32 s10, $0x1;
	s10 =	sld [smem:$0x3FB4];
	_ =	sdelay $0x3  }
0x34: {  	[smem:$0x3FB4] =	sst s10  }
0x35: {  	s10 =	sld [smem:$0x3FB3];
	_ =	sdelay $0x3  }
0x36: {  	p1 =	seq.s32 s10, $0x1;
	s10 =	sld [smem:$0x3FB4];
	_ =	sdelay $0x3  }
0x37: {  	[smem:$0x3FB4] =	sst s10  }
0x38: {  	s10 =	sld [smem:$0x3FB5]  }
0x39: {  	_ = 	snop;
	(pc) =	sbr.ind lr, $3  }
0x3a: {  	_ = 	snop  }
0x3b: {  	_ = 	snop  }
0x3c: {  	p2 =	seq.s32 s10, $0x1;
	s10 =	sld [smem:$0x3FB4]  }
0x3d: {  	_ =	shalt  }
0x3e: {  	_ =	shalt  }
0x3f: {  	_ =	shalt  }
0x40: {  	_ =	shalt  }
0x41: {  	_ =	shalt  }
0x42: {  	_ =	shalt  }
0x43: {  	_ =	shalt  }
0x44: {  	_ =	shalt  }
0x45: {  	_ =	shalt  }
0x46: {  	_ =	shalt  }
0x47: {  	_ =	shalt  }
0x48: {  	_ =	shalt  }
0x49: {  	_ =	shalt  }
0x4a: {  	_ =	shalt  }
0x4b: {  	_ =	shalt  }
0x4c: {  	_ =	shalt  }
0x4d: {  	_ =	shalt  }
0x4e: {  	_ =	shalt  }
0x4f: {  	_ =	shalt  }
0x50: {  	_ =	shalt  }
0x51: {  	_ =	shalt  }
0x52: {  	_ =	shalt  }
0x53: {  	_ =	shalt  }
0x54: {  	_ =	shalt  }
0x55: {  	_ =	shalt  }
0x56: {  	_ =	shalt  }
0x57: {  	_ =	shalt  }
0x58: {  	_ =	shalt  }
0x59: {  	_ =	shalt  }
0x5a: {  	_ =	shalt  }
0x5b: {  	_ =	shalt  }
0x5c: {  	_ =	shalt  }
0x5d: {  	_ =	shalt  }
0x5e: {  	_ =	shalt  }
0x5f: {  	_ =	shalt  }
0x60: {  	_ =	shalt  }
0x61: {  	_ =	shalt  }
0x62: {  	_ =	shalt  }
0x63: {  	_ =	shalt  }
0x64: {  	_ =	shalt  }
0x65: {  	_ =	shalt  }
0x66: {  	_ =	shalt  }
0x67: {  	_ =	shalt  }
0x68: {  	_ =	shalt  }
0x69: {  	_ =	shalt  }
0x6a: {  	_ =	shalt  }
0x6b: {  	_ =	shalt  }
0x6c: {  	_ =	shalt  }
0x6d: {  	_ =	shalt  }
0x6e: {  	_ =	shalt  }
0x6f: {  	_ =	shalt  }
0x70: {  	_ =	shalt  }
0x71: {  	_ =	shalt  }
0x72: {  	_ =	shalt  }
0x73: {  	_ =	shalt  }
0x74: {  	_ =	shalt  }
0x75: {  	_ =	shalt  }
0x76: {  	_ =	shalt  }
0x77: {  	_ =	shalt  }
0x78: {  	_ =	shalt  }
0x79: {  	_ =	shalt  }
0x7a: {  	_ =	shalt  }
0x7b: {  	_ =	shalt  }
0x7c: {  	_ =	shalt  }
0x7d: {  	_ =	shalt  }
0x7e: {  	_ =	shalt  }
0x7f: {  	_ =	shalt  }
0x80: {  	_ =	shalt  }
0x81: {  	_ =	shalt  }
0x82: {  	_ =	shalt  }
0x83: {  	_ =	shalt  }
0x84: {  	_ =	shalt  }
0x85: {  	_ =	shalt  }
0x86: {  	_ =	shalt  }
0x87: {  	_ =	shalt  }
.Lfunc_end0:
.L_simem_size_0:
called_computation_lowered:
.L_overlay_start_0:
0x88: {  	s2 =	sld [smem:$0x3FD9]  }
0x89: {  	s3 =	sld [smem:$0x3FFE];
	_ =	sdelay $0x1  }
0x8a: {  	s1 =	srdreg.scid  }
0x8b: {  	s0 =	sand.u32 $0x1, s1  }
0x8c: {  	s17 =	sshll.u32 s0, $0xA;
	s2 =	sadd.s32 s3, s2  }
0x8d: {  	s2 =	sadd.s32 s2, s17  }
0x8e: {  	[smem:$0x3FC0] =	sst s2  }
0x8f: {  	_ = 	snop  }
0x90: {  	s2 =	sld [smem:$0x3FD0];
	(tm) =	ssettm $0x1  }
0x91: {  	s18 =	sld [smem:$0x3FFB];
	_ =	sdelay $0x3  }
0x92: {  	_ =	strace s18  }
0x93: {  	s3 =	sld [smem:$0x3FFC];
	_ =	sdelay $0x3  }
0x94: {  	_ =	strace s3  }
0x95: {  	s3 =	sld [smem:$0x3FFD];
	_ =	sdelay $0x3  }
0x96: {  	_ =	strace s3  }
0x97: {  	_ =	strace $0x8FFFFFFF  }
0x98: {  	s19 =	sld [smem:$0x3FDB];
	_ =	sdelay $0x1  }
0x99: {  	s4 =	simm.s32 $_scs_section_size  }
0x9a: {  	s5 =	simm.s32 $_size__tile_overlayer_lowered;
	s6 =	simm.s32 $_tile_overlayer_lowered  }
0x9b: {  	s22 =	simm.s32 $0x1BFF;
	s21 =	sshll.u32 s6, $0x1;
	s3 =	sadd.s32 s4, s19  }
0x9c: {  	s7 =	simm.s32 $0x0;
	s20 =	sshll.u32 s5, $0x1;
	s5 =	sadd.s32 s21, s3  }
0x9d: {  	[timem:s7], [sflag:s22] =	dma.local [hbm:s5], s20  }
0x9e: {  	_ =	swait.ge [sflag:s22], s20  }
0x9f: {  	s4 =	ssub.s32 $0x0, s20;
	[sflag:s22] =	ssyncset.done $0x0  }
0xa0: {  	[sflag:s22] =	ssyncadd.s32 s4;
	_ =	sdelay $0x1  }
0xa1: {  	s23 =	simm.s32 $0x1B8B  }
0xa2: {  	_ =	swait.ge [sflag:s23], $0x1  }
0xa3: {  	[sflag:s23] =	ssyncset.done $0x0  }
0xa4: {  	s25 =	simm.s32 $0x1B8E;
	s24 =	sld [smem:$0x3FFE];
	[sflag:s23] =	ssyncadd.s32 $0xFFFFFFFF  }
0xa5: {  	s26 =	simm.s32 $execute0_lowered;
	[smem:$0x3FD2] =	sst s25  }
0xa6: {  	s5 =	sshll.u32 s26, $0x1;
	_ =	strace $0x80000046;
	[dreg:$0x1] =	wrdreg $0xFFFFFFFF  }
0xa7: {  	s28 =	simm.s32 $_size_execute0_lowered;
	s3 =	sadd.s32 s3, s5;
	[dreg:$0x0] =	wrdreg $0x0  }
0xa8: {  	s5 =	sshll.u32 s28, $0x1;
	[dreg:$0x2] =	wrdreg s3  }
0xa9: {  	[dreg:$0x3] =	wrdreg s5  }
0xaa: {  	[dreg:$0x4] =	wrdreg $0xC0  }
0xab: {  	_ =	task [dreg:s7], $0x5FFFF  }
0xac: {  	[dreg:$0x1] =	wrdreg $0xFFFFFFFF  }
0xad: {  	[dreg:$0x0] =	wrdreg $0x60  }
0xae: {  	[dreg:$0x2] =	wrdreg s24  }
0xaf: {  	[dreg:$0x3] =	wrdreg s2  }
0xb0: {  	[dreg:$0x4] =	wrdreg $0xCB200  }
0xb1: {  	[dreg:$0x5] =	wrdreg $0x9  }
0xb2: {  	_ =	task.clear_ibuf [dreg:s7], $0x6FFFF;
	_ =	strace $0x90000046  }
0xb3: {  	s29 =	simm.s32 $0x9;
	_ =	strace $0x80000048  }
0xb4: {  	_ =	swait.ge [sflag:s29], $0x1  }
0xb5: {  	[sflag:s29] =	ssyncadd.s32 $0xFFFFFFFF  }
0xb6: {  	_ =	strace $0x90000048  }
0xb7: {  	_ =	sfence  }
0xb8: {  	s30 =	sld [smem:$0x0];
	_ =	sdelay $0x2  }
0xb9: {  	s31 =	sshll.u32 s1, $0xD;
	s1 =	sshrl.u32 s1, $0x2  }
0xba: {  	s3 =	sand.u32 $0x4000, s31;
	s1 =	sadd.s32 s1, s30  }
0xbb: {  	s0 =	sor.u32 s3, s0;
	s1 =	sshll.u32 s1, $0x11  }
0xbc: {  	s0 =	sor.u32 s1, s0  }
0xbd: {  	s0 =	sadd.s32 $0x8F2B, s0  }
0xbe: {  	[sflag:s0] =	ssyncadd.remote.s32 $0x1  }
0xbf: {  	_ =	sfence.sel $0xFFFF  }
0xc0: {  	[dreg:$0x0] =	wrdreg $0xFFFFFFFF;
	(pc) =	sbr.abs _section_cstart, $3  }
0xc1: {  	[dreg:$0x1] =	wrdreg $0xFFFFFFFF  }
0xc2: {  	_ =	task.clear_ibuf [dreg:s7], $0x2FFFF;
	_ =	strace $0x9FFFFFFF  }
0xc3: {  	(tm) =	ssettm $0x7FFFFFFF  }
tec
execute0_lowered:
.L_overlay_start_1:
0x0: {  	(tag) =	ssettag $0x1  }
0x1: {  	s0 =	srdreg.scid  }
0x2: {  	s1 =	rddreg [dreg:$0x0];
	s12 =	stileid.u32  }
0x3: {  	s6 =	rddreg [dreg:$0x1];
	s14 =	simm.s32 $0x50;
	s15 =	simm.s32 $0x4E20  }
0x4: {  	s16 =	simm.s32 $0x6720;
	s18 =	simm.s32 $0x8020;
	s20 =	simm.s32 $0x9920  }
0x5: {  	s22 =	simm.s32 $0xB220;
	s23 =	simm.s32 $0x1;
	s24 =	simm.s32 $0x2  }
0x6: {  	s28 =	simm.s32 $0x5;
	s29 =	simm.s32 $0x4C90;
	s30 =	simm.s32 $0x4CE0  }
0x7: {  	s31 =	simm.s32 $0x4D30;
	s0 =	sand.u32 $0x1, s0;
	s8 =	smul.u32 $0xC800, s12  }
0x8: {  	s4 =	sadd.s32 $0xB000, s1;
	s26 =	sshll.u32 s12, $0x6;
	s2 =	sshll.u32 s0, $0x4  }
0x9: {  	s5 =	smul.u32 $0xC8000, s0;
	s0 =	ssub.s32 $0x2, s0;
	s3 =	sor.u32 s12, s2  }
0xa: {  	s2 =	rddreg [dreg:$0x2];
	s10 =	sshrl.u32 s8, $0x3;
	s11 =	sshrl.u32 s0, $0x1  }
0xb: {  	s12 =	sor.u32 $0x1C06, s26;
	s26 =	simm.s32 $0x4;
	s7 =	smul.u32 $0x4E2, s3  }
0xc: {  	s3 =	simm.s32 $0x0;
	s5 =	sadd.s32 s8, s5;
	s10 =	sadd.s32 s10, s1  }
0xd: {  	s0 =	ssub.s32 s0, s11;
	s25 =	sadd.s32 s8, s2;
	s11 =	simm.s32 $0x0  }
0xe: {  	[smem:$0x7FF] =	sst s3;
	s5 =	sshrl.u32 s5, $0x3;
	s13 =	sshrl.u32 s25, $0x3  }
0xf: {  	s25 =	simm.s32 $0x3;
	_ =	strace $0x80000047;
	s9 =	sadd.s32 s7, s1  }
0x10: {  	s1 =	sadd.s32 s5, s1;
	s6 =	sadd.s32 s6, s7;
	s7 =	sadd.s32 $0x23800, s10  }
0x11: {  	s10 =	simm.s32 $0x6;
	s5 =	sadd.s32 $0x1200, s9;
	s8 =	sadd.s32 $0x3C800, s1  }
0x12: {  	s9 =	smax.u32 s0, $0x1;
	s1 =	simm.s32 $0x4D80;
	s0 =	simm.s32 $0x4DD0  }
.LBB2_1:
0x13: {  	[tilespmem:s3], [sflag:$0x6] =	stream.linear.gather [hbm4b:s5+s3], $0x2710, $0x38;
	[tilespmem:$0x19320] =	vst v63  }
0x14: {  	_ =	swait.ge [sflag:s10], $0x2710  }
0x15: {  	[sflag:s10] =	ssyncset.done $0x0  }
0x16: {  	s17 =	simm.s32 $0x2710;
	[sflag:s10] =	ssyncadd.s32 $0xFFFFD8F0  }
0x17: {  	[tilespmem:s17], [sflag:$0x6] =	stream.linear.gather [hbm4b:s6+s3], $0x2710, $0x38;
	[tilespmem:$0x19320] =	vst v63  }
0x18: {  	_ =	swait.ge [sflag:s10], $0x2710  }
0x19: {  	[sflag:s10] =	ssyncset.done $0x0  }
0x1a: {  	[sflag:s10] =	ssyncadd.s32 $0xFFFFD8F0  }
0x1b: {  	[spmem:s13], [sflag:s12] =	dma.local [hbm:s7], $0x1900  }
0x1c: {  	_ =	swait.ge [sflag:s10], $0x1900  }
0x1d: {  	[sflag:s10] =	ssyncset.done $0x0  }
0x1e: {  	[sflag:s10] =	ssyncadd.s32 $0xFFFFE700  }
0x1f: {  	[bflag:$0x0] =	sbarrier.arrive $0xFFFF  }
0x20: {  	[tilespmem:s15], [sflag:$0x1] =	stream.indirect.gather [hbm4b:s4+s14], $0x50, s3, s14, $0xb8;
	[tilespmem:$0x19320] =	vst v63  }
0x21: {  	_ = 	snop  }
0x22: {  	[tilespmem:s16], [sflag:$0x2] =	stream.indirect.gather [hbm4b:s4+s14], $0x50, s14, s14, $0xb8;
	[tilespmem:$0x19320] =	vst v63  }
0x23: {  	s19 =	simm.s32 $0xA0  }
0x24: {  	[tilespmem:s18], [sflag:$0x3] =	stream.indirect.gather [hbm4b:s4+s14], $0x50, s19, s14, $0xb8;
	[tilespmem:$0x19320] =	vst v63  }
0x25: {  	s21 =	simm.s32 $0xF0  }
0x26: {  	[tilespmem:s20], [sflag:$0x4] =	stream.indirect.gather [hbm4b:s4+s14], $0x50, s21, s14, $0xb8;
	[tilespmem:$0x19320] =	vst v63  }
0x27: {  	s19 =	simm.s32 $0x140  }
0x28: {  	[tilespmem:s22], [sflag:$0x5] =	stream.indirect.gather [hbm4b:s4+s14], $0x50, s19, s14, $0xb8;
	[tilespmem:$0x19320] =	vst v63  }
0x29: {  	_ =	swait.ge [sflag:s23], $0x1900  }
0x2a: {  	[sflag:s23] =	ssyncset.done $0x0  }
0x2b: {  	s21 =	simm.s32 $0x2710;
	[sflag:s23] =	ssyncadd.s32 $0xFFFFE700  }
0x2c: {  	[spmem:s2] =	stream.indirect.scatter.add.f32 [tilespmem:s15], [sflag:$0x6], $0x50, s21, s14, $0xb8;
	[tilespmem:$0x19320] =	vst v63  }
0x2d: {  	_ =	swait.ge [sflag:s10], $0x1900  }
0x2e: {  	[sflag:s10] =	ssyncset.done $0x0  }
0x2f: {  	s19 =	simm.s32 $0x190;
	[sflag:s10] =	ssyncadd.s32 $0xFFFFE700  }
0x30: {  	[tilespmem:s15], [sflag:$0x1] =	stream.indirect.gather [hbm4b:s4+s14], $0x50, s19, s14, $0xb8;
	[tilespmem:$0x19320] =	vst v63  }
0x31: {  	_ =	swait.ge [sflag:s24], $0x1900  }
0x32: {  	[sflag:s24] =	ssyncset.done $0x0  }
0x33: {  	s21 =	simm.s32 $0x2760;
	[sflag:s24] =	ssyncadd.s32 $0xFFFFE700  }
0x34: {  	[spmem:s2] =	stream.indirect.scatter.add.f32 [tilespmem:s16], [sflag:$0x6], $0x50, s21, s14, $0xb8;
	[tilespmem:$0x19320] =	vst v63  }
0x35: {  	_ =	swait.ge [sflag:s10], $0x1900  }
0x36: {  	[sflag:s10] =	ssyncset.done $0x0  }
0x37: {  	s19 =	simm.s32 $0x1E0;
	[sflag:s10] =	ssyncadd.s32 $0xFFFFE700  }
0x38: {  	[tilespmem:s16], [sflag:$0x2] =	stream.indirect.gather [hbm4b:s4+s14], $0x50, s19, s14, $0xb8;
	[tilespmem:$0x19320] =	vst v63  }
0x39: {  	_ =	swait.ge [sflag:s25], $0x1900  }
0x3a: {  	[sflag:s25] =	ssyncset.done $0x0  }
0x3b: {  	s21 =	simm.s32 $0x27B0;
	[sflag:s25] =	ssyncadd.s32 $0xFFFFE700  }
0x3c: {  	[spmem:s2] =	stream.indirect.scatter.add.f32 [tilespmem:s18], [sflag:$0x6], $0x50, s21, s14, $0xb8;
	[tilespmem:$0x19320] =	vst v63  }
0x3d: {  	_ =	swait.ge [sflag:s10], $0x1900  }
0x3e: {  	[sflag:s10] =	ssyncset.done $0x0  }
0x3f: {  	s19 =	simm.s32 $0x230;
	[sflag:s10] =	ssyncadd.s32 $0xFFFFE700  }
0x40: {  	[tilespmem:s18], [sflag:$0x3] =	stream.indirect.gather [hbm4b:s4+s14], $0x50, s19, s14, $0xb8;
	[tilespmem:$0x19320] =	vst v63  }
0x41: {  	_ =	swait.ge [sflag:s26], $0x1900  }
0x42: {  	[sflag:s26] =	ssyncset.done $0x0  }
0x43: {  	s21 =	simm.s32 $0x2800;
	[sflag:s26] =	ssyncadd.s32 $0xFFFFE700  }
0x44: {  	[spmem:s2] =	stream.indirect.scatter.add.f32 [tilespmem:s20], [sflag:$0x6], $0x50, s21, s14, $0xb8;
	[tilespmem:$0x19320] =	vst v63  }
0x45: {  	_ =	swait.ge [sflag:s10], $0x1900  }
0x46: {  	[sflag:s10] =	ssyncset.done $0x0  }
0x47: {  	s19 =	simm.s32 $0x280;
	[sflag:s10] =	ssyncadd.s32 $0xFFFFE700  }
0x48: {  	[tilespmem:s20], [sflag:$0x4] =	stream.indirect.gather [hbm4b:s4+s14], $0x50, s19, s14, $0xb8;
	[tilespmem:$0x19320] =	vst v63  }
0x49: {  	_ =	swait.ge [sflag:s28], $0x1900  }
0x4a: {  	[sflag:s28] =	ssyncset.done $0x0  }
0x4b: {  	s21 =	simm.s32 $0x2850;
	[sflag:s28] =	ssyncadd.s32 $0xFFFFE700  }
0x4c: {  	[spmem:s2] =	stream.indirect.scatter.add.f32 [tilespmem:s22], [sflag:$0x6], $0x50, s21, s14, $0xb8;
	[tilespmem:$0x19320] =	vst v63  }
0x4d: {  	_ =	swait.ge [sflag:s10], $0x1900  }
0x4e: {  	[sflag:s10] =	ssyncset.done $0x0  }
0x4f: {  	s17 =	simm.s32 $0x640;
	s19 =	simm.s32 $0x2D0;
	[sflag:s10] =	ssyncadd.s32 $0xFFFFE700  }
.LBB2_2:
0x50: {  	[tilespmem:s22], [sflag:$0x5] =	stream.indirect.gather [hbm4b:s4+s14], $0x50, s19, s14, $0xb8;
	[tilespmem:$0x19320] =	vst v63  }
0x51: {  	s19 =	smov.u32 s17  }
0x52: {  	p0 =	sne.s32 s17, $0x8FC0;
	s17 =	sadd.s32 $0x640, s17;
	_ =	swait.ge [sflag:s23], $0x1900  }
0x53: {  	s19 =	sshra.s32 s19, $0x2;
	[sflag:s23] =	ssyncset.done $0x0  }
0x54: {  	s21 =	sadd.s32 $0x2710, s19;
	[sflag:s23] =	ssyncadd.s32 $0xFFFFE700  }
0x55: {  	[spmem:s2] =	stream.indirect.scatter.add.f32 [tilespmem:s15], [sflag:$0x6], $0x50, s21, s14, $0xb8;
	[tilespmem:$0x19320] =	vst v63  }
0x56: {  	_ =	swait.ge [sflag:s10], $0x1900  }
0x57: {  	[sflag:s10] =	ssyncset.done $0x0  }
0x58: {  	s21 =	sadd.s32 $0x190, s19;
	[sflag:s10] =	ssyncadd.s32 $0xFFFFE700  }
0x59: {  	[tilespmem:s15], [sflag:$0x1] =	stream.indirect.gather [hbm4b:s4+s14], $0x50, s21, s14, $0xb8;
	[tilespmem:$0x19320] =	vst v63  }
0x5a: {  	_ =	swait.ge [sflag:s24], $0x1900  }
0x5b: {  	[sflag:s24] =	ssyncset.done $0x0  }
0x5c: {  	s21 =	sadd.s32 $0x2760, s19;
	[sflag:s24] =	ssyncadd.s32 $0xFFFFE700  }
0x5d: {  	[spmem:s2] =	stream.indirect.scatter.add.f32 [tilespmem:s16], [sflag:$0x6], $0x50, s21, s14, $0xb8;
	[tilespmem:$0x19320] =	vst v63  }
0x5e: {  	_ =	swait.ge [sflag:s10], $0x1900  }
0x5f: {  	[sflag:s10] =	ssyncset.done $0x0  }
0x60: {  	s21 =	sadd.s32 $0x1E0, s19;
	[sflag:s10] =	ssyncadd.s32 $0xFFFFE700  }
0x61: {  	[tilespmem:s16], [sflag:$0x2] =	stream.indirect.gather [hbm4b:s4+s14], $0x50, s21, s14, $0xb8;
	[tilespmem:$0x19320] =	vst v63  }
0x62: {  	_ =	swait.ge [sflag:s25], $0x1900  }
0x63: {  	[sflag:s25] =	ssyncset.done $0x0  }
0x64: {  	s21 =	sadd.s32 $0x27B0, s19;
	[sflag:s25] =	ssyncadd.s32 $0xFFFFE700  }
0x65: {  	[spmem:s2] =	stream.indirect.scatter.add.f32 [tilespmem:s18], [sflag:$0x6], $0x50, s21, s14, $0xb8;
	[tilespmem:$0x19320] =	vst v63  }
0x66: {  	_ =	swait.ge [sflag:s10], $0x1900  }
0x67: {  	[sflag:s10] =	ssyncset.done $0x0  }
0x68: {  	s21 =	sadd.s32 $0x230, s19;
	[sflag:s10] =	ssyncadd.s32 $0xFFFFE700  }
0x69: {  	[tilespmem:s18], [sflag:$0x3] =	stream.indirect.gather [hbm4b:s4+s14], $0x50, s21, s14, $0xb8;
	[tilespmem:$0x19320] =	vst v63  }
0x6a: {  	_ =	swait.ge [sflag:s26], $0x1900  }
0x6b: {  	[sflag:s26] =	ssyncset.done $0x0  }
0x6c: {  	s21 =	sadd.s32 $0x2800, s19;
	[sflag:s26] =	ssyncadd.s32 $0xFFFFE700  }
0x6d: {  	[spmem:s2] =	stream.indirect.scatter.add.f32 [tilespmem:s20], [sflag:$0x6], $0x50, s21, s14, $0xb8;
	[tilespmem:$0x19320] =	vst v63  }
0x6e: {  	_ =	swait.ge [sflag:s10], $0x1900  }
0x6f: {  	[sflag:s10] =	ssyncset.done $0x0  }
0x70: {  	s21 =	sadd.s32 $0x280, s19;
	[sflag:s10] =	ssyncadd.s32 $0xFFFFE700  }
0x71: {  	[tilespmem:s20], [sflag:$0x4] =	stream.indirect.gather [hbm4b:s4+s14], $0x50, s21, s14, $0xb8;
	[tilespmem:$0x19320] =	vst v63  }
0x72: {  	_ =	swait.ge [sflag:s28], $0x1900  }
0x73: {  	[sflag:s28] =	ssyncset.done $0x0  }
.Ltmp0:
0x74: {  	s21 =	sadd.s32 $0x2850, s19;
	[sflag:s28] =	ssyncadd.s32 $0xFFFFE700;
	(pc) =	sbr.rel @p0 .LBB2_2-.Ltmp0, $4  }
0x75: {  	[spmem:s2] =	stream.indirect.scatter.add.f32 [tilespmem:s22], [sflag:$0x6], $0x50, s21, s14, $0xb8;
	[tilespmem:$0x19320] =	vst v63  }
0x76: {  	_ =	swait.ge [sflag:s10], $0x1900  }
0x77: {  	[sflag:s10] =	ssyncset.done $0x0  }
0x78: {  	s19 =	sadd.s32 $0x2D0, s19;
	[sflag:s10] =	ssyncadd.s32 $0xFFFFE700  }
0x79: {  	[tilespmem:s22], [sflag:$0x5] =	stream.indirect.gather [hbm4b:s4+s14], $0x50, s19, s14, $0xb8;
	[tilespmem:$0x19320] =	vst v63  }
0x7a: {  	_ =	swait.ge [sflag:s23], $0x1900  }
0x7b: {  	[sflag:s23] =	ssyncset.done $0x0  }
0x7c: {  	[sflag:s23] =	ssyncadd.s32 $0xFFFFE700  }
0x7d: {  	[spmem:s2] =	stream.indirect.scatter.add.f32 [tilespmem:s15], [sflag:$0x6], $0x50, s29, s14, $0xb8;
	[tilespmem:$0x19320] =	vst v63  }
0x7e: {  	_ =	swait.ge [sflag:s10], $0x1900  }
0x7f: {  	[sflag:s10] =	ssyncset.done $0x0  }
0x80: {  	[sflag:s10] =	ssyncadd.s32 $0xFFFFE700  }
0x81: {  	_ =	swait.ge [sflag:s24], $0x1900  }
0x82: {  	[sflag:s24] =	ssyncset.done $0x0  }
0x83: {  	[sflag:s24] =	ssyncadd.s32 $0xFFFFE700  }
0x84: {  	[spmem:s2] =	stream.indirect.scatter.add.f32 [tilespmem:s16], [sflag:$0x6], $0x50, s30, s14, $0xb8;
	[tilespmem:$0x19320] =	vst v63  }
0x85: {  	_ =	swait.ge [sflag:s10], $0x1900  }
0x86: {  	[sflag:s10] =	ssyncset.done $0x0  }
0x87: {  	[sflag:s10] =	ssyncadd.s32 $0xFFFFE700  }
0x88: {  	_ =	swait.ge [sflag:s25], $0x1900  }
0x89: {  	[sflag:s25] =	ssyncset.done $0x0  }
0x8a: {  	[sflag:s25] =	ssyncadd.s32 $0xFFFFE700  }
0x8b: {  	[spmem:s2] =	stream.indirect.scatter.add.f32 [tilespmem:s18], [sflag:$0x6], $0x50, s31, s14, $0xb8;
	[tilespmem:$0x19320] =	vst v63  }
0x8c: {  	_ =	swait.ge [sflag:s10], $0x1900  }
0x8d: {  	[sflag:s10] =	ssyncset.done $0x0  }
0x8e: {  	[sflag:s10] =	ssyncadd.s32 $0xFFFFE700  }
0x8f: {  	_ =	swait.ge [sflag:s26], $0x1900  }
0x90: {  	[sflag:s26] =	ssyncset.done $0x0  }
0x91: {  	[sflag:s26] =	ssyncadd.s32 $0xFFFFE700  }
0x92: {  	[spmem:s2] =	stream.indirect.scatter.add.f32 [tilespmem:s20], [sflag:$0x6], $0x50, s1, s14, $0xb8;
	[tilespmem:$0x19320] =	vst v63  }
0x93: {  	_ =	swait.ge [sflag:s10], $0x1900  }
0x94: {  	[sflag:s10] =	ssyncset.done $0x0  }
0x95: {  	[sflag:s10] =	ssyncadd.s32 $0xFFFFE700  }
0x96: {  	_ =	swait.ge [sflag:s28], $0x1900  }
0x97: {  	[sflag:s28] =	ssyncset.done $0x0  }
0x98: {  	[sflag:s28] =	ssyncadd.s32 $0xFFFFE700  }
0x99: {  	[spmem:s2] =	stream.indirect.scatter.add.f32 [tilespmem:s22], [sflag:$0x6], $0x50, s0, s14, $0xb8;
	[tilespmem:$0x19320] =	vst v63  }
0x9a: {  	_ =	swait.ge [sflag:s10], $0x1900  }
0x9b: {  	s11 =	sadd.s32 $0x1, s11;
	[sflag:s10] =	ssyncset.done $0x0  }
0x9c: {  	p0 =	sne.s32 s11, s9;
	[sflag:s10] =	ssyncadd.s32 $0xFFFFE700  }
.Ltmp1:
0x9d: {  	[bflag:$0x0] =	sbarrier.arrive $0xFFFF;
	(pc) =	sbr.rel @p0 .LBB2_1-.Ltmp1, $4  }
0x9e: {  	[hbm:s8], [sflag:s12] =	dma.local [spmem:s13], $0x1900  }
0x9f: {  	_ =	swait.ge [sflag:s10], $0x1900  }
0xa0: {  	[sflag:s10] =	ssyncset.done $0x0  }
0xa1: {  	[sflag:s10] =	ssyncadd.s32 $0xFFFFE700  }
0xa2: {  	_ =	sfence.sel $0x180000  }
0xa3: {  	[bflag:$0x0] =	sbarrier.arrive $0xFFFF  }
0xa4: {  	_ =	strace $0x90000047  }
0xa5: {  	s0 =	stileid.u32;
	[bflag:$0x2] =	sbarrier.arrive $0xFFFF  }
0xa6: {  	p0 =	sne.s32 s0, $0x0;
	s0 =	rddreg [dreg:$0x3]  }
0xa7: {  	s0 =	sadd.s32 @!p0 $0x100000, s0  }
0xa8: {  	[sflag:s0] =	ssyncadd.tile.s32 @!p0 $0x1;
	_ =	shalt  }
.Lfunc_end2:
_tile_overlayer_lowered:
.L_overlay_start_2:
0xa9: {  	(tag) =	ssettag $0x2  }
0xaa: {  	s0 =	rddreg [dreg:$0x0];
	s2 =	stileid.u32  }
0xab: {  	s1 =	rddreg [dreg:$0x1];
	p0 =	sne.s32 s2, $0x0  }
0xac: {  	s3 =	rddreg [dreg:$0x2];
	[bflag:$0x3] =	sbarrier.arrive $0xFFFF;
	s2 =	simm.s32 @!p0 $0x1C06  }
0xad: {  	[timem:s3], [sflag:s2] =	dma.local @!p0 [hbm:s0], s1  }
0xae: {  	s0 =	simm.s32 @!p0 $0x6  }
0xaf: {  	_ =	swait.ge @!p0 [sflag:s0], s1  }
0xb0: {  	s1 =	ssub.s32 @!p0 $0x0, s1;
	[sflag:s0] =	ssyncset.done @!p0 $0x0  }
0xb1: {  	[sflag:s0] =	ssyncadd.s32 @!p0 s1  }
0xb2: {  	[bflag:$0x3] =	sbarrier.arrive $0xFFFF  }
0xb3: {  	_ =	shalt  }

</sc_bundles>
